<compile_context>
chip_gen: v7x
topology: tpu7x:2x2x1
jax: 0.10.2.dev20260603
libtpu: 0.0.44.dev20260713+nightly
codegen_flags: <defaults>
</compile_context>

<pallas_src>
import functools

import jax
import jax.numpy as jnp
from jax import lax
from jax.experimental import pallas as pl
from jax.experimental.pallas import tpu as pltpu
from jax.experimental.pallas import tpu_sc as plsc

_NC = 2
_NS = 16
_NW = _NC * _NS

_IDX_PER_DMA = 128
_KB = 5
_CHUNK = _IDX_PER_DMA * _KB

_NSPLIT = 2


def _sc_gather(x_flat, table):
    n = x_flat.shape[0]
    d = table.shape[1]
    rows_per_w = n // _NW
    nchunk = rows_per_w // _CHUNK
    assert rows_per_w % _CHUNK == 0 and nchunk % 2 == 0

    x_view = x_flat.reshape(_NW, nchunk, _KB, _IDX_PER_DMA)

    mesh = plsc.VectorSubcoreMesh(core_axis_name="c", subcore_axis_name="s")

    @functools.partial(
        pl.kernel,
        out_type=jax.ShapeDtypeStruct((_NW, nchunk, _CHUNK, d), jnp.float32),
        mesh=mesh,
        scratch_types=[
            pltpu.VMEM((2, _KB, _IDX_PER_DMA), jnp.int32),
            pltpu.VMEM((2, _CHUNK, d), jnp.float32),
            pltpu.SemaphoreType.DMA,
            pltpu.SemaphoreType.DMA,
        ],
        compiler_params=pltpu.CompilerParams(use_tc_tiling_on_sc=False),
    )
    def gather_kernel(x_hbm, table_hbm, e_hbm, idx_v, rows_v, sem0, sem1):
        wid = lax.axis_index("s") * _NC + lax.axis_index("c")
        sems = (sem0, sem1)

        def body(i, carry):
            handles = []
            for s in range(2):
                chunk = i * 2 + s
                pltpu.sync_copy(x_hbm.at[wid, chunk], idx_v.at[s])
                hs = [
                    pltpu.async_copy(
                        table_hbm.at[idx_v.at[s, j]],
                        rows_v.at[s, pl.ds(j * _IDX_PER_DMA, _IDX_PER_DMA)],
                        sems[s],
                    )
                    for j in range(_KB)
                ]
                handles.append(hs)
            for s in range(2):
                for h in handles[s]:
                    h.wait()
                pltpu.sync_copy(rows_v.at[s], e_hbm.at[wid, i * 2 + s])
            return carry

        lax.fori_loop(0, nchunk // 2, body, 0)

    return gather_kernel(x_view, table).reshape(n, d)


def _tc_project_chunk(e3, pe8, w2, b2, t, m, prev, split, nsplit):
    ngrp, rows, _ = e3.shape
    gb = 8
    assert ngrp % gb == 0
    bpg = 2 * rows // t
    nbatch = ngrp * bpg * nsplit
    base = split * (ngrp // gb)

    def mm_kernel(e_ref, pe_ref, w_ref, b_ref, out_ref):
        eb = e_ref[...] + pe_ref[...][None, :, :]
        acc = jax.lax.dot_general(
            eb.reshape(gb * rows, 128),
            w_ref[...],
            (((1,), (0,)), ((), ())),
            preferred_element_type=jnp.float32,
        )
        out_ref[...] = (acc + b_ref[...]).reshape(gb * bpg, t, m)

    args = [e3, pe8, w2, b2]
    in_specs = [
        pl.BlockSpec((gb, rows, 128), lambda i: (i, 0, 0)),
        pl.BlockSpec((rows, 128), lambda i: (0, 0)),
        pl.BlockSpec((128, 256), lambda i: (0, 0)),
        pl.BlockSpec((1, 256), lambda i: (0, 0)),
    ]
    kwargs = {}
    body = mm_kernel
    if prev is not None:
        def mm_kernel_alias(e_ref, pe_ref, w_ref, b_ref, prev_ref, out_ref):
            del prev_ref
            mm_kernel(e_ref, pe_ref, w_ref, b_ref, out_ref)

        args.append(prev)
        in_specs.append(pl.BlockSpec(memory_space=pl.ANY))
        kwargs["input_output_aliases"] = {4: 0}
        body = mm_kernel_alias

    return pl.pallas_call(
        body,
        grid=(ngrp // gb,),
        in_specs=in_specs,
        out_specs=pl.BlockSpec((gb * bpg, t, m), lambda i: (base + i, 0, 0)),
        out_shape=jax.ShapeDtypeStruct((nbatch, t, m), jnp.float32),
        **kwargs,
    )(*args)


def kernel(x, table, pe, W, b):
    if x.ndim == 1:
        x = x[None, :]
    bsz, t = x.shape
    d = table.shape[1]
    m = W.shape[0]

    tbl = jax.lax.optimization_barrier(table.reshape(-1)).reshape(table.shape)

    grp = 8
    rows = grp * (t // 2)
    pe8 = jnp.tile(pe.reshape(t // 2, 2 * d), (grp, 1))
    wt = W.T
    z = jnp.zeros((d, m), jnp.float32)
    w2 = jnp.concatenate(
        [jnp.concatenate([wt, z], 1), jnp.concatenate([z, wt], 1)], 0
    )
    b2 = jnp.concatenate([b, b])[None, :]

    bchunk = bsz // _NSPLIT
    xf = x.reshape(_NSPLIT, bchunk * t)
    out = None
    for k in range(_NSPLIT):
        e_flat = _sc_gather(xf[k], tbl)
        e3 = e_flat.reshape(bchunk // grp, rows, 2 * d)
        out = _tc_project_chunk(e3, pe8, w2, b2, t, m, out, k, _NSPLIT)
    return out

# --- scband reference (transcript-rebuilt; emitter-appended) ---
"""Pipeline reference for scband-embedding-36369783062766 (READ-ONLY COPY).

The authoritative reference and input builder live on the scoring server;
editing this copy changes nothing except your own understanding.
"""

import jax, jax.numpy as jnp
import numpy as np

VOCAB = 1000000
EMBED_DIM = 64
N_TOKENS = 200
MODEL_DIM = 128
PADDING_IDX = 0
BATCH = 4096


def generate_pe_matrix(embedding_dim, n_input_tokens):
    idx = np.arange(embedding_dim)
    denom = np.power(10000.0, 2.0 * idx / embedding_dim)
    pos = np.arange(n_input_tokens)
    ratio = pos[:, None] / denom[None, :]
    sin_m = np.sin(ratio)
    cos_m = np.cos(ratio)
    half = idx // 2
    pe = np.where(idx % 2 == 0, sin_m[:, half], cos_m[:, half])
    return jnp.asarray(pe, dtype=jnp.float32)


def setup_inputs(seed: int = 0) -> dict:
    key = jax.random.key(seed)
    k1, k2, k3 = jax.random.split(key, 3)
    x = jax.random.randint(k1, (BATCH, N_TOKENS), 0, VOCAB, dtype=jnp.int32)
    table = jax.random.normal(k2, (VOCAB, EMBED_DIM), dtype=jnp.float32)
    table = table.at[PADDING_IDX].set(0.0)  # nn.Embedding zeros the padding row
    pe = generate_pe_matrix(EMBED_DIM, N_TOKENS)
    # xavier_normal_ for Linear(embedding_dim -> model_dim): weight shape [model_dim, embedding_dim]
    std = float(np.sqrt(2.0 / (EMBED_DIM + MODEL_DIM)))
    W = jax.random.normal(k3, (MODEL_DIM, EMBED_DIM), dtype=jnp.float32) * std
    b = jnp.zeros((MODEL_DIM,), dtype=jnp.float32)
    return {"x": x, "table": table, "pe": pe, "W": W, "b": b}


def reference(x, table, pe, W, b):
    # x: int[B, n_input_tokens]
    if x.ndim == 1:
        x = x[None, :]
    e = jnp.take(table, x, axis=0)          # gather: [B, T, embed_dim]
    e = e + pe[None, :, :]                  # add positional encoding
    out = jnp.dot(e, W.T) + b               # linear to model_dim: [B, T, model_dim]
    return out

if __name__ == "__main__":
    import jax
    _d = setup_inputs()
    print(jax.jit(kernel)(*tuple(_d.values())))

</pallas_src>

<mosaic_0001>
#map = affine_map<(d0, d1) -> (0, 0, 0, 0)>
#map1 = affine_map<(d0, d1) -> (0, 0)>
module attributes {stable_mosaic.version = 14 : i64} {
  func.func @gather_kernel(%arg0: i32, %arg1: i32, %arg2: memref<32x20x5x128xi32, #tpu.memory_space<hbm>>, %arg3: memref<1000000x64xf32, #tpu.memory_space<hbm>>, %arg4: memref<32x20x640x64xf32, #tpu.memory_space<hbm>>, %arg5: memref<2x5x128xi32, #tpu.memory_space<vmem>>, %arg6: memref<2x640x64xf32, #tpu.memory_space<vmem>>, %arg7: memref<!tpu.dma_semaphore, #tpu.memory_space<semaphore_mem>>, %arg8: memref<!tpu.dma_semaphore, #tpu.memory_space<semaphore_mem>>) attributes {dimension_semantics = [#tpu.dimension_semantics<core_parallel>, #tpu.dimension_semantics<subcore_parallel>], iteration_bounds = array<i64: 2, 16>, scalar_prefetch = 0 : i64, scratch_operands = 4 : i64, tpu.core_type = #tpu.core_type<sc_vector_subcore>, window_params = [{transform_indices = #map}, {transform_indices = #map1}, {transform_indices = #map}]} {
    %mul3A = arith.constant 2 : i32
    %mul3A_0 = arith.muli %arg1, %mul3A : i32
    %add3A = arith.addi %mul3A_0, %arg0 : i32
    %scan3A = arith.constant 0 : i32
    %scan3A_1 = arith.constant 0 : i32
    %scan3A_2 = arith.constant 10 : i32
    %scan3A_3 = arith.addi %scan3A_1, %scan3A_2 : i32
    %scan3A_4 = arith.constant 1 : i32
    scf.for %scan3A_6 = %scan3A_1 to %scan3A_3 step %scan3A_4  : i32 {
      %mul3A_7 = arith.constant 2 : i32
      %mul3A_8 = arith.muli %scan3A_6, %mul3A_7 : i32
      %add3A_9 = arith.constant 0 : i32
      %add3A_10 = arith.addi %mul3A_8, %add3A_9 : i32
      %run_scoped3A = arith.constant 0 : i32
      "tpu.region"() ({
        %run_scoped3A_284 = tpu.sem_alloc : memref<!tpu.dma_semaphore, #tpu.memory_space<semaphore_mem>>
        %dma_start3A_285 = arith.constant 0 : i32
        %dma_start3A_286 = arith.constant 0 : i32
        %dma_start3A_287 = tpu.memref_slice %arg5[%run_scoped3A, %dma_start3A_285, %dma_start3A_286] : memref<2x5x128xi32, #tpu.memory_space<vmem>> -> memref<1x5x128xi32, #tpu.memory_space<vmem>>
        %dma_start3A_288 = tpu.memref_squeeze %dma_start3A_287 : memref<1x5x128xi32, #tpu.memory_space<vmem>> -> memref<5x128xi32, #tpu.memory_space<vmem>>
        %dma_start3A_289 = arith.constant 0 : i32
        %dma_start3A_290 = arith.constant 0 : i32
        %dma_start3A_291 = tpu.memref_slice %arg2[%add3A, %add3A_10, %dma_start3A_289, %dma_start3A_290] : memref<32x20x5x128xi32, #tpu.memory_space<hbm>> -> memref<1x1x5x128xi32, #tpu.memory_space<hbm>>
        %dma_start3A_292 = tpu.memref_squeeze %dma_start3A_291 : memref<1x1x5x128xi32, #tpu.memory_space<hbm>> -> memref<5x128xi32, #tpu.memory_space<hbm>>
        %dma_start3A_293 = arith.constant 0 : i32
        %dma_start3A_294 = arith.constant 0 : i32
        %dma_start3A_295 = tpu.memref_slice %arg5[%run_scoped3A, %dma_start3A_293, %dma_start3A_294] : memref<2x5x128xi32, #tpu.memory_space<vmem>> -> memref<1x5x128xi32, #tpu.memory_space<vmem>>
        %dma_start3A_296 = tpu.memref_squeeze %dma_start3A_295 : memref<1x5x128xi32, #tpu.memory_space<vmem>> -> memref<5x128xi32, #tpu.memory_space<vmem>>
        %dma_start3A_297 = arith.constant 0 : i32
        %dma_start3A_298 = arith.constant 0 : i32
        %dma_start3A_299 = tpu.memref_slice %arg2[%add3A, %add3A_10, %dma_start3A_297, %dma_start3A_298] : memref<32x20x5x128xi32, #tpu.memory_space<hbm>> -> memref<1x1x5x128xi32, #tpu.memory_space<hbm>>
        %dma_start3A_300 = tpu.memref_squeeze %dma_start3A_299 : memref<1x1x5x128xi32, #tpu.memory_space<hbm>> -> memref<5x128xi32, #tpu.memory_space<hbm>>
        tpu.enqueue_dma source(%dma_start3A_300 : memref<5x128xi32, #tpu.memory_space<hbm>>) target(%dma_start3A_296 : memref<5x128xi32, #tpu.memory_space<vmem>>) target_semaphore(%run_scoped3A_284 : memref<!tpu.dma_semaphore, #tpu.memory_space<semaphore_mem>>)
        %dma_wait3A_301 = arith.constant 0 : i32
        %dma_wait3A_302 = arith.constant 0 : i32
        %dma_wait3A_303 = tpu.memref_slice %arg5[%run_scoped3A, %dma_wait3A_301, %dma_wait3A_302] : memref<2x5x128xi32, #tpu.memory_space<vmem>> -> memref<1x5x128xi32, #tpu.memory_space<vmem>>
        %dma_wait3A_304 = tpu.memref_squeeze %dma_wait3A_303 : memref<1x5x128xi32, #tpu.memory_space<vmem>> -> memref<5x128xi32, #tpu.memory_space<vmem>>
        %dma_wait3A_305 = arith.constant 0 : i32
        %dma_wait3A_306 = arith.constant 0 : i32
        %dma_wait3A_307 = tpu.memref_slice %arg2[%add3A, %add3A_10, %dma_wait3A_305, %dma_wait3A_306] : memref<32x20x5x128xi32, #tpu.memory_space<hbm>> -> memref<1x1x5x128xi32, #tpu.memory_space<hbm>>
        %dma_wait3A_308 = tpu.memref_squeeze %dma_wait3A_307 : memref<1x1x5x128xi32, #tpu.memory_space<hbm>> -> memref<5x128xi32, #tpu.memory_space<hbm>>
        %dma_wait3A_309 = arith.constant 0 : i32
        %dma_wait3A_310 = arith.constant 0 : i32
        %dma_wait3A_311 = tpu.memref_slice %arg5[%run_scoped3A, %dma_wait3A_309, %dma_wait3A_310] : memref<2x5x128xi32, #tpu.memory_space<vmem>> -> memref<1x5x128xi32, #tpu.memory_space<vmem>>
        %dma_wait3A_312 = tpu.memref_squeeze %dma_wait3A_311 : memref<1x5x128xi32, #tpu.memory_space<vmem>> -> memref<5x128xi32, #tpu.memory_space<vmem>>
        %dma_wait3A_313 = arith.constant 0 : i32
        %dma_wait3A_314 = arith.constant 0 : i32
        %dma_wait3A_315 = tpu.memref_slice %arg2[%add3A, %add3A_10, %dma_wait3A_313, %dma_wait3A_314] : memref<32x20x5x128xi32, #tpu.memory_space<hbm>> -> memref<1x1x5x128xi32, #tpu.memory_space<hbm>>
        %dma_wait3A_316 = tpu.memref_squeeze %dma_wait3A_315 : memref<1x1x5x128xi32, #tpu.memory_space<hbm>> -> memref<5x128xi32, #tpu.memory_space<hbm>>
        tpu.wait_dma2 semaphore(%run_scoped3A_284 : memref<!tpu.dma_semaphore, #tpu.memory_space<semaphore_mem>>) src(%dma_wait3A_316 : memref<5x128xi32, #tpu.memory_space<hbm>>) dst(%dma_wait3A_312 : memref<5x128xi32, #tpu.memory_space<vmem>>)
        tpu.yield
      }) : () -> ()
      %dma_start3A = arith.constant 0 : i32
      %dma_start3A_11 = arith.constant 0 : i32
      %dma_start3A_12 = arith.constant 0 : i32
      %dma_start3A_13 = arith.constant 0 : i32
      %dma_start3A_14 = arith.constant 0 : i32
      %dma_start3A_15 = tpu.memref_slice %arg6[%dma_start3A_12, %dma_start3A_13, %dma_start3A_14] : memref<2x640x64xf32, #tpu.memory_space<vmem>> -> memref<1x128x64xf32, #tpu.memory_space<vmem>>
      %dma_start3A_16 = tpu.memref_squeeze %dma_start3A_15 : memref<1x128x64xf32, #tpu.memory_space<vmem>> -> memref<128x64xf32, #tpu.memory_space<vmem>>
      %dma_start3A_17 = arith.constant 0 : i32
      %dma_start3A_18 = tpu.memref_slice %arg5[%dma_start3A, %dma_start3A_11, %dma_start3A_17] : memref<2x5x128xi32, #tpu.memory_space<vmem>> -> memref<1x1x128xi32, #tpu.memory_space<vmem>>
      %dma_start3A_19 = tpu.memref_squeeze %dma_start3A_18 : memref<1x1x128xi32, #tpu.memory_space<vmem>> -> memref<128xi32, #tpu.memory_space<vmem>>
      %dma_start3A_20 = arith.constant 0 : i32
      %dma_start3A_21 = arith.constant 0 : i32
      %dma_start3A_22 = tpu.memref_slice %arg3[%dma_start3A_20, %dma_start3A_21] : memref<1000000x64xf32, #tpu.memory_space<hbm>> -> memref<1000000x64xf32, #tpu.memory_space<hbm>>
      tpu.enqueue_indirect_dma source(%dma_start3A_22 : memref<1000000x64xf32, #tpu.memory_space<hbm>>) target(%dma_start3A_16 : memref<128x64xf32, #tpu.memory_space<vmem>>) offsets(%dma_start3A_19 : memref<128xi32, #tpu.memory_space<vmem>>) semaphore(%arg7 : memref<!tpu.dma_semaphore, #tpu.memory_space<semaphore_mem>>)
      %dma_start3A_23 = arith.constant 0 : i32
      %dma_start3A_24 = arith.constant 1 : i32
      %dma_start3A_25 = arith.constant 0 : i32
      %dma_start3A_26 = arith.constant 128 : i32
      %dma_start3A_27 = arith.constant 0 : i32
      %dma_start3A_28 = tpu.memref_slice %arg6[%dma_start3A_25, %dma_start3A_26, %dma_start3A_27] : memref<2x640x64xf32, #tpu.memory_space<vmem>> -> memref<1x128x64xf32, #tpu.memory_space<vmem>>
      %dma_start3A_29 = tpu.memref_squeeze %dma_start3A_28 : memref<1x128x64xf32, #tpu.memory_space<vmem>> -> memref<128x64xf32, #tpu.memory_space<vmem>>
      %dma_start3A_30 = arith.constant 0 : i32
      %dma_start3A_31 = tpu.memref_slice %arg5[%dma_start3A_23, %dma_start3A_24, %dma_start3A_30] : memref<2x5x128xi32, #tpu.memory_space<vmem>> -> memref<1x1x128xi32, #tpu.memory_space<vmem>>
      %dma_start3A_32 = tpu.memref_squeeze %dma_start3A_31 : memref<1x1x128xi32, #tpu.memory_space<vmem>> -> memref<128xi32, #tpu.memory_space<vmem>>
      %dma_start3A_33 = arith.constant 0 : i32
      %dma_start3A_34 = arith.constant 0 : i32
      %dma_start3A_35 = tpu.memref_slice %arg3[%dma_start3A_33, %dma_start3A_34] : memref<1000000x64xf32, #tpu.memory_space<hbm>> -> memref<1000000x64xf32, #tpu.memory_space<hbm>>
      tpu.enqueue_indirect_dma source(%dma_start3A_35 : memref<1000000x64xf32, #tpu.memory_space<hbm>>) target(%dma_start3A_29 : memref<128x64xf32, #tpu.memory_space<vmem>>) offsets(%dma_start3A_32 : memref<128xi32, #tpu.memory_space<vmem>>) semaphore(%arg7 : memref<!tpu.dma_semaphore, #tpu.memory_space<semaphore_mem>>)
      %dma_start3A_36 = arith.constant 0 : i32
      %dma_start3A_37 = arith.constant 2 : i32
      %dma_start3A_38 = arith.constant 0 : i32
      %dma_start3A_39 = arith.constant 256 : i32
      %dma_start3A_40 = arith.constant 0 : i32
      %dma_start3A_41 = tpu.memref_slice %arg6[%dma_start3A_38, %dma_start3A_39, %dma_start3A_40] : memref<2x640x64xf32, #tpu.memory_space<vmem>> -> memref<1x128x64xf32, #tpu.memory_space<vmem>>
      %dma_start3A_42 = tpu.memref_squeeze %dma_start3A_41 : memref<1x128x64xf32, #tpu.memory_space<vmem>> -> memref<128x64xf32, #tpu.memory_space<vmem>>
      %dma_start3A_43 = arith.constant 0 : i32
      %dma_start3A_44 = tpu.memref_slice %arg5[%dma_start3A_36, %dma_start3A_37, %dma_start3A_43] : memref<2x5x128xi32, #tpu.memory_space<vmem>> -> memref<1x1x128xi32, #tpu.memory_space<vmem>>
      %dma_start3A_45 = tpu.memref_squeeze %dma_start3A_44 : memref<1x1x128xi32, #tpu.memory_space<vmem>> -> memref<128xi32, #tpu.memory_space<vmem>>
      %dma_start3A_46 = arith.constant 0 : i32
      %dma_start3A_47 = arith.constant 0 : i32
      %dma_start3A_48 = tpu.memref_slice %arg3[%dma_start3A_46, %dma_start3A_47] : memref<1000000x64xf32, #tpu.memory_space<hbm>> -> memref<1000000x64xf32, #tpu.memory_space<hbm>>
      tpu.enqueue_indirect_dma source(%dma_start3A_48 : memref<1000000x64xf32, #tpu.memory_space<hbm>>) target(%dma_start3A_42 : memref<128x64xf32, #tpu.memory_space<vmem>>) offsets(%dma_start3A_45 : memref<128xi32, #tpu.memory_space<vmem>>) semaphore(%arg7 : memref<!tpu.dma_semaphore, #tpu.memory_space<semaphore_mem>>)
      %dma_start3A_49 = arith.constant 0 : i32
      %dma_start3A_50 = arith.constant 3 : i32
      %dma_start3A_51 = arith.constant 0 : i32
      %dma_start3A_52 = arith.constant 384 : i32
      %dma_start3A_53 = arith.constant 0 : i32
      %dma_start3A_54 = tpu.memref_slice %arg6[%dma_start3A_51, %dma_start3A_52, %dma_start3A_53] : memref<2x640x64xf32, #tpu.memory_space<vmem>> -> memref<1x128x64xf32, #tpu.memory_space<vmem>>
      %dma_start3A_55 = tpu.memref_squeeze %dma_start3A_54 : memref<1x128x64xf32, #tpu.memory_space<vmem>> -> memref<128x64xf32, #tpu.memory_space<vmem>>
      %dma_start3A_56 = arith.constant 0 : i32
      %dma_start3A_57 = tpu.memref_slice %arg5[%dma_start3A_49, %dma_start3A_50, %dma_start3A_56] : memref<2x5x128xi32, #tpu.memory_space<vmem>> -> memref<1x1x128xi32, #tpu.memory_space<vmem>>
      %dma_start3A_58 = tpu.memref_squeeze %dma_start3A_57 : memref<1x1x128xi32, #tpu.memory_space<vmem>> -> memref<128xi32, #tpu.memory_space<vmem>>
      %dma_start3A_59 = arith.constant 0 : i32
      %dma_start3A_60 = arith.constant 0 : i32
      %dma_start3A_61 = tpu.memref_slice %arg3[%dma_start3A_59, %dma_start3A_60] : memref<1000000x64xf32, #tpu.memory_space<hbm>> -> memref<1000000x64xf32, #tpu.memory_space<hbm>>
      tpu.enqueue_indirect_dma source(%dma_start3A_61 : memref<1000000x64xf32, #tpu.memory_space<hbm>>) target(%dma_start3A_55 : memref<128x64xf32, #tpu.memory_space<vmem>>) offsets(%dma_start3A_58 : memref<128xi32, #tpu.memory_space<vmem>>) semaphore(%arg7 : memref<!tpu.dma_semaphore, #tpu.memory_space<semaphore_mem>>)
      %dma_start3A_62 = arith.constant 0 : i32
      %dma_start3A_63 = arith.constant 4 : i32
      %dma_start3A_64 = arith.constant 0 : i32
      %dma_start3A_65 = arith.constant 512 : i32
      %dma_start3A_66 = arith.constant 0 : i32
      %dma_start3A_67 = tpu.memref_slice %arg6[%dma_start3A_64, %dma_start3A_65, %dma_start3A_66] : memref<2x640x64xf32, #tpu.memory_space<vmem>> -> memref<1x128x64xf32, #tpu.memory_space<vmem>>
      %dma_start3A_68 = tpu.memref_squeeze %dma_start3A_67 : memref<1x128x64xf32, #tpu.memory_space<vmem>> -> memref<128x64xf32, #tpu.memory_space<vmem>>
      %dma_start3A_69 = arith.constant 0 : i32
      %dma_start3A_70 = tpu.memref_slice %arg5[%dma_start3A_62, %dma_start3A_63, %dma_start3A_69] : memref<2x5x128xi32, #tpu.memory_space<vmem>> -> memref<1x1x128xi32, #tpu.memory_space<vmem>>
      %dma_start3A_71 = tpu.memref_squeeze %dma_start3A_70 : memref<1x1x128xi32, #tpu.memory_space<vmem>> -> memref<128xi32, #tpu.memory_space<vmem>>
      %dma_start3A_72 = arith.constant 0 : i32
      %dma_start3A_73 = arith.constant 0 : i32
      %dma_start3A_74 = tpu.memref_slice %arg3[%dma_start3A_72, %dma_start3A_73] : memref<1000000x64xf32, #tpu.memory_space<hbm>> -> memref<1000000x64xf32, #tpu.memory_space<hbm>>
      tpu.enqueue_indirect_dma source(%dma_start3A_74 : memref<1000000x64xf32, #tpu.memory_space<hbm>>) target(%dma_start3A_68 : memref<128x64xf32, #tpu.memory_space<vmem>>) offsets(%dma_start3A_71 : memref<128xi32, #tpu.memory_space<vmem>>) semaphore(%arg7 : memref<!tpu.dma_semaphore, #tpu.memory_space<semaphore_mem>>)
      %mul3A_75 = arith.constant 2 : i32
      %mul3A_76 = arith.muli %scan3A_6, %mul3A_75 : i32
      %add3A_77 = arith.constant 1 : i32
      %add3A_78 = arith.addi %mul3A_76, %add3A_77 : i32
      %run_scoped3A_79 = arith.constant 1 : i32
      "tpu.region"() ({
        %run_scoped3A_284 = tpu.sem_alloc : memref<!tpu.dma_semaphore, #tpu.memory_space<semaphore_mem>>
        %dma_start3A_285 = arith.constant 0 : i32
        %dma_start3A_286 = arith.constant 0 : i32
        %dma_start3A_287 = tpu.memref_slice %arg5[%run_scoped3A_79, %dma_start3A_285, %dma_start3A_286] : memref<2x5x128xi32, #tpu.memory_space<vmem>> -> memref<1x5x128xi32, #tpu.memory_space<vmem>>
        %dma_start3A_288 = tpu.memref_squeeze %dma_start3A_287 : memref<1x5x128xi32, #tpu.memory_space<vmem>> -> memref<5x128xi32, #tpu.memory_space<vmem>>
        %dma_start3A_289 = arith.constant 0 : i32
        %dma_start3A_290 = arith.constant 0 : i32
        %dma_start3A_291 = tpu.memref_slice %arg2[%add3A, %add3A_78, %dma_start3A_289, %dma_start3A_290] : memref<32x20x5x128xi32, #tpu.memory_space<hbm>> -> memref<1x1x5x128xi32, #tpu.memory_space<hbm>>
        %dma_start3A_292 = tpu.memref_squeeze %dma_start3A_291 : memref<1x1x5x128xi32, #tpu.memory_space<hbm>> -> memref<5x128xi32, #tpu.memory_space<hbm>>
        %dma_start3A_293 = arith.constant 0 : i32
        %dma_start3A_294 = arith.constant 0 : i32
        %dma_start3A_295 = tpu.memref_slice %arg5[%run_scoped3A_79, %dma_start3A_293, %dma_start3A_294] : memref<2x5x128xi32, #tpu.memory_space<vmem>> -> memref<1x5x128xi32, #tpu.memory_space<vmem>>
        %dma_start3A_296 = tpu.memref_squeeze %dma_start3A_295 : memref<1x5x128xi32, #tpu.memory_space<vmem>> -> memref<5x128xi32, #tpu.memory_space<vmem>>
        %dma_start3A_297 = arith.constant 0 : i32
        %dma_start3A_298 = arith.constant 0 : i32
        %dma_start3A_299 = tpu.memref_slice %arg2[%add3A, %add3A_78, %dma_start3A_297, %dma_start3A_298] : memref<32x20x5x128xi32, #tpu.memory_space<hbm>> -> memref<1x1x5x128xi32, #tpu.memory_space<hbm>>
        %dma_start3A_300 = tpu.memref_squeeze %dma_start3A_299 : memref<1x1x5x128xi32, #tpu.memory_space<hbm>> -> memref<5x128xi32, #tpu.memory_space<hbm>>
        tpu.enqueue_dma source(%dma_start3A_300 : memref<5x128xi32, #tpu.memory_space<hbm>>) target(%dma_start3A_296 : memref<5x128xi32, #tpu.memory_space<vmem>>) target_semaphore(%run_scoped3A_284 : memref<!tpu.dma_semaphore, #tpu.memory_space<semaphore_mem>>)
        %dma_wait3A_301 = arith.constant 0 : i32
        %dma_wait3A_302 = arith.constant 0 : i32
        %dma_wait3A_303 = tpu.memref_slice %arg5[%run_scoped3A_79, %dma_wait3A_301, %dma_wait3A_302] : memref<2x5x128xi32, #tpu.memory_space<vmem>> -> memref<1x5x128xi32, #tpu.memory_space<vmem>>
        %dma_wait3A_304 = tpu.memref_squeeze %dma_wait3A_303 : memref<1x5x128xi32, #tpu.memory_space<vmem>> -> memref<5x128xi32, #tpu.memory_space<vmem>>
        %dma_wait3A_305 = arith.constant 0 : i32
        %dma_wait3A_306 = arith.constant 0 : i32
        %dma_wait3A_307 = tpu.memref_slice %arg2[%add3A, %add3A_78, %dma_wait3A_305, %dma_wait3A_306] : memref<32x20x5x128xi32, #tpu.memory_space<hbm>> -> memref<1x1x5x128xi32, #tpu.memory_space<hbm>>
        %dma_wait3A_308 = tpu.memref_squeeze %dma_wait3A_307 : memref<1x1x5x128xi32, #tpu.memory_space<hbm>> -> memref<5x128xi32, #tpu.memory_space<hbm>>
        %dma_wait3A_309 = arith.constant 0 : i32
        %dma_wait3A_310 = arith.constant 0 : i32
        %dma_wait3A_311 = tpu.memref_slice %arg5[%run_scoped3A_79, %dma_wait3A_309, %dma_wait3A_310] : memref<2x5x128xi32, #tpu.memory_space<vmem>> -> memref<1x5x128xi32, #tpu.memory_space<vmem>>
        %dma_wait3A_312 = tpu.memref_squeeze %dma_wait3A_311 : memref<1x5x128xi32, #tpu.memory_space<vmem>> -> memref<5x128xi32, #tpu.memory_space<vmem>>
        %dma_wait3A_313 = arith.constant 0 : i32
        %dma_wait3A_314 = arith.constant 0 : i32
        %dma_wait3A_315 = tpu.memref_slice %arg2[%add3A, %add3A_78, %dma_wait3A_313, %dma_wait3A_314] : memref<32x20x5x128xi32, #tpu.memory_space<hbm>> -> memref<1x1x5x128xi32, #tpu.memory_space<hbm>>
        %dma_wait3A_316 = tpu.memref_squeeze %dma_wait3A_315 : memref<1x1x5x128xi32, #tpu.memory_space<hbm>> -> memref<5x128xi32, #tpu.memory_space<hbm>>
        tpu.wait_dma2 semaphore(%run_scoped3A_284 : memref<!tpu.dma_semaphore, #tpu.memory_space<semaphore_mem>>) src(%dma_wait3A_316 : memref<5x128xi32, #tpu.memory_space<hbm>>) dst(%dma_wait3A_312 : memref<5x128xi32, #tpu.memory_space<vmem>>)
        tpu.yield
      }) : () -> ()
      %dma_start3A_80 = arith.constant 1 : i32
      %dma_start3A_81 = arith.constant 0 : i32
      %dma_start3A_82 = arith.constant 1 : i32
      %dma_start3A_83 = arith.constant 0 : i32
      %dma_start3A_84 = arith.constant 0 : i32
      %dma_start3A_85 = tpu.memref_slice %arg6[%dma_start3A_82, %dma_start3A_83, %dma_start3A_84] : memref<2x640x64xf32, #tpu.memory_space<vmem>> -> memref<1x128x64xf32, #tpu.memory_space<vmem>>
      %dma_start3A_86 = tpu.memref_squeeze %dma_start3A_85 : memref<1x128x64xf32, #tpu.memory_space<vmem>> -> memref<128x64xf32, #tpu.memory_space<vmem>>
      %dma_start3A_87 = arith.constant 0 : i32
      %dma_start3A_88 = tpu.memref_slice %arg5[%dma_start3A_80, %dma_start3A_81, %dma_start3A_87] : memref<2x5x128xi32, #tpu.memory_space<vmem>> -> memref<1x1x128xi32, #tpu.memory_space<vmem>>
      %dma_start3A_89 = tpu.memref_squeeze %dma_start3A_88 : memref<1x1x128xi32, #tpu.memory_space<vmem>> -> memref<128xi32, #tpu.memory_space<vmem>>
      %dma_start3A_90 = arith.constant 0 : i32
      %dma_start3A_91 = arith.constant 0 : i32
      %dma_start3A_92 = tpu.memref_slice %arg3[%dma_start3A_90, %dma_start3A_91] : memref<1000000x64xf32, #tpu.memory_space<hbm>> -> memref<1000000x64xf32, #tpu.memory_space<hbm>>
      tpu.enqueue_indirect_dma source(%dma_start3A_92 : memref<1000000x64xf32, #tpu.memory_space<hbm>>) target(%dma_start3A_86 : memref<128x64xf32, #tpu.memory_space<vmem>>) offsets(%dma_start3A_89 : memref<128xi32, #tpu.memory_space<vmem>>) semaphore(%arg8 : memref<!tpu.dma_semaphore, #tpu.memory_space<semaphore_mem>>)
      %dma_start3A_93 = arith.constant 1 : i32
      %dma_start3A_94 = arith.constant 1 : i32
      %dma_start3A_95 = arith.constant 1 : i32
      %dma_start3A_96 = arith.constant 128 : i32
      %dma_start3A_97 = arith.constant 0 : i32
      %dma_start3A_98 = tpu.memref_slice %arg6[%dma_start3A_95, %dma_start3A_96, %dma_start3A_97] : memref<2x640x64xf32, #tpu.memory_space<vmem>> -> memref<1x128x64xf32, #tpu.memory_space<vmem>>
      %dma_start3A_99 = tpu.memref_squeeze %dma_start3A_98 : memref<1x128x64xf32, #tpu.memory_space<vmem>> -> memref<128x64xf32, #tpu.memory_space<vmem>>
      %dma_start3A_100 = arith.constant 0 : i32
      %dma_start3A_101 = tpu.memref_slice %arg5[%dma_start3A_93, %dma_start3A_94, %dma_start3A_100] : memref<2x5x128xi32, #tpu.memory_space<vmem>> -> memref<1x1x128xi32, #tpu.memory_space<vmem>>
      %dma_start3A_102 = tpu.memref_squeeze %dma_start3A_101 : memref<1x1x128xi32, #tpu.memory_space<vmem>> -> memref<128xi32, #tpu.memory_space<vmem>>
      %dma_start3A_103 = arith.constant 0 : i32
      %dma_start3A_104 = arith.constant 0 : i32
      %dma_start3A_105 = tpu.memref_slice %arg3[%dma_start3A_103, %dma_start3A_104] : memref<1000000x64xf32, #tpu.memory_space<hbm>> -> memref<1000000x64xf32, #tpu.memory_space<hbm>>
      tpu.enqueue_indirect_dma source(%dma_start3A_105 : memref<1000000x64xf32, #tpu.memory_space<hbm>>) target(%dma_start3A_99 : memref<128x64xf32, #tpu.memory_space<vmem>>) offsets(%dma_start3A_102 : memref<128xi32, #tpu.memory_space<vmem>>) semaphore(%arg8 : memref<!tpu.dma_semaphore, #tpu.memory_space<semaphore_mem>>)
      %dma_start3A_106 = arith.constant 1 : i32
      %dma_start3A_107 = arith.constant 2 : i32
      %dma_start3A_108 = arith.constant 1 : i32
      %dma_start3A_109 = arith.constant 256 : i32
      %dma_start3A_110 = arith.constant 0 : i32
      %dma_start3A_111 = tpu.memref_slice %arg6[%dma_start3A_108, %dma_start3A_109, %dma_start3A_110] : memref<2x640x64xf32, #tpu.memory_space<vmem>> -> memref<1x128x64xf32, #tpu.memory_space<vmem>>
      %dma_start3A_112 = tpu.memref_squeeze %dma_start3A_111 : memref<1x128x64xf32, #tpu.memory_space<vmem>> -> memref<128x64xf32, #tpu.memory_space<vmem>>
      %dma_start3A_113 = arith.constant 0 : i32
      %dma_start3A_114 = tpu.memref_slice %arg5[%dma_start3A_106, %dma_start3A_107, %dma_start3A_113] : memref<2x5x128xi32, #tpu.memory_space<vmem>> -> memref<1x1x128xi32, #tpu.memory_space<vmem>>
      %dma_start3A_115 = tpu.memref_squeeze %dma_start3A_114 : memref<1x1x128xi32, #tpu.memory_space<vmem>> -> memref<128xi32, #tpu.memory_space<vmem>>
      %dma_start3A_116 = arith.constant 0 : i32
      %dma_start3A_117 = arith.constant 0 : i32
      %dma_start3A_118 = tpu.memref_slice %arg3[%dma_start3A_116, %dma_start3A_117] : memref<1000000x64xf32, #tpu.memory_space<hbm>> -> memref<1000000x64xf32, #tpu.memory_space<hbm>>
      tpu.enqueue_indirect_dma source(%dma_start3A_118 : memref<1000000x64xf32, #tpu.memory_space<hbm>>) target(%dma_start3A_112 : memref<128x64xf32, #tpu.memory_space<vmem>>) offsets(%dma_start3A_115 : memref<128xi32, #tpu.memory_space<vmem>>) semaphore(%arg8 : memref<!tpu.dma_semaphore, #tpu.memory_space<semaphore_mem>>)
      %dma_start3A_119 = arith.constant 1 : i32
      %dma_start3A_120 = arith.constant 3 : i32
      %dma_start3A_121 = arith.constant 1 : i32
      %dma_start3A_122 = arith.constant 384 : i32
      %dma_start3A_123 = arith.constant 0 : i32
      %dma_start3A_124 = tpu.memref_slice %arg6[%dma_start3A_121, %dma_start3A_122, %dma_start3A_123] : memref<2x640x64xf32, #tpu.memory_space<vmem>> -> memref<1x128x64xf32, #tpu.memory_space<vmem>>
      %dma_start3A_125 = tpu.memref_squeeze %dma_start3A_124 : memref<1x128x64xf32, #tpu.memory_space<vmem>> -> memref<128x64xf32, #tpu.memory_space<vmem>>
      %dma_start3A_126 = arith.constant 0 : i32
      %dma_start3A_127 = tpu.memref_slice %arg5[%dma_start3A_119, %dma_start3A_120, %dma_start3A_126] : memref<2x5x128xi32, #tpu.memory_space<vmem>> -> memref<1x1x128xi32, #tpu.memory_space<vmem>>
      %dma_start3A_128 = tpu.memref_squeeze %dma_start3A_127 : memref<1x1x128xi32, #tpu.memory_space<vmem>> -> memref<128xi32, #tpu.memory_space<vmem>>
      %dma_start3A_129 = arith.constant 0 : i32
      %dma_start3A_130 = arith.constant 0 : i32
      %dma_start3A_131 = tpu.memref_slice %arg3[%dma_start3A_129, %dma_start3A_130] : memref<1000000x64xf32, #tpu.memory_space<hbm>> -> memref<1000000x64xf32, #tpu.memory_space<hbm>>
      tpu.enqueue_indirect_dma source(%dma_start3A_131 : memref<1000000x64xf32, #tpu.memory_space<hbm>>) target(%dma_start3A_125 : memref<128x64xf32, #tpu.memory_space<vmem>>) offsets(%dma_start3A_128 : memref<128xi32, #tpu.memory_space<vmem>>) semaphore(%arg8 : memref<!tpu.dma_semaphore, #tpu.memory_space<semaphore_mem>>)
      %dma_start3A_132 = arith.constant 1 : i32
      %dma_start3A_133 = arith.constant 4 : i32
      %dma_start3A_134 = arith.constant 1 : i32
      %dma_start3A_135 = arith.constant 512 : i32
      %dma_start3A_136 = arith.constant 0 : i32
      %dma_start3A_137 = tpu.memref_slice %arg6[%dma_start3A_134, %dma_start3A_135, %dma_start3A_136] : memref<2x640x64xf32, #tpu.memory_space<vmem>> -> memref<1x128x64xf32, #tpu.memory_space<vmem>>
      %dma_start3A_138 = tpu.memref_squeeze %dma_start3A_137 : memref<1x128x64xf32, #tpu.memory_space<vmem>> -> memref<128x64xf32, #tpu.memory_space<vmem>>
      %dma_start3A_139 = arith.constant 0 : i32
      %dma_start3A_140 = tpu.memref_slice %arg5[%dma_start3A_132, %dma_start3A_133, %dma_start3A_139] : memref<2x5x128xi32, #tpu.memory_space<vmem>> -> memref<1x1x128xi32, #tpu.memory_space<vmem>>
      %dma_start3A_141 = tpu.memref_squeeze %dma_start3A_140 : memref<1x1x128xi32, #tpu.memory_space<vmem>> -> memref<128xi32, #tpu.memory_space<vmem>>
      %dma_start3A_142 = arith.constant 0 : i32
      %dma_start3A_143 = arith.constant 0 : i32
      %dma_start3A_144 = tpu.memref_slice %arg3[%dma_start3A_142, %dma_start3A_143] : memref<1000000x64xf32, #tpu.memory_space<hbm>> -> memref<1000000x64xf32, #tpu.memory_space<hbm>>
      tpu.enqueue_indirect_dma source(%dma_start3A_144 : memref<1000000x64xf32, #tpu.memory_space<hbm>>) target(%dma_start3A_138 : memref<128x64xf32, #tpu.memory_space<vmem>>) offsets(%dma_start3A_141 : memref<128xi32, #tpu.memory_space<vmem>>) semaphore(%arg8 : memref<!tpu.dma_semaphore, #tpu.memory_space<semaphore_mem>>)
      %dma_wait3A = arith.constant 0 : i32
      %dma_wait3A_145 = arith.constant 0 : i32
      %dma_wait3A_146 = arith.constant 0 : i32
      %dma_wait3A_147 = arith.constant 0 : i32
      %dma_wait3A_148 = arith.constant 0 : i32
      %dma_wait3A_149 = tpu.memref_slice %arg6[%dma_wait3A_146, %dma_wait3A_147, %dma_wait3A_148] : memref<2x640x64xf32, #tpu.memory_space<vmem>> -> memref<1x128x64xf32, #tpu.memory_space<vmem>>
      %dma_wait3A_150 = tpu.memref_squeeze %dma_wait3A_149 : memref<1x128x64xf32, #tpu.memory_space<vmem>> -> memref<128x64xf32, #tpu.memory_space<vmem>>
      %dma_wait3A_151 = arith.constant 0 : i32
      %dma_wait3A_152 = tpu.memref_slice %arg5[%dma_wait3A, %dma_wait3A_145, %dma_wait3A_151] : memref<2x5x128xi32, #tpu.memory_space<vmem>> -> memref<1x1x128xi32, #tpu.memory_space<vmem>>
      %dma_wait3A_153 = tpu.memref_squeeze %dma_wait3A_152 : memref<1x1x128xi32, #tpu.memory_space<vmem>> -> memref<128xi32, #tpu.memory_space<vmem>>
      %dma_wait3A_154 = arith.constant 0 : i32
      %dma_wait3A_155 = arith.constant 0 : i32
      %dma_wait3A_156 = tpu.memref_slice %arg3[%dma_wait3A_154, %dma_wait3A_155] : memref<1000000x64xf32, #tpu.memory_space<hbm>> -> memref<1000000x64xf32, #tpu.memory_space<hbm>>
      tpu.wait_indirect_dma semaphore(%arg7 : memref<!tpu.dma_semaphore, #tpu.memory_space<semaphore_mem>>) src(%dma_wait3A_156 : memref<1000000x64xf32, #tpu.memory_space<hbm>>) dst(%dma_wait3A_150 : memref<128x64xf32, #tpu.memory_space<vmem>>)
      %dma_wait3A_157 = arith.constant 0 : i32
      %dma_wait3A_158 = arith.constant 1 : i32
      %dma_wait3A_159 = arith.constant 0 : i32
      %dma_wait3A_160 = arith.constant 128 : i32
      %dma_wait3A_161 = arith.constant 0 : i32
      %dma_wait3A_162 = tpu.memref_slice %arg6[%dma_wait3A_159, %dma_wait3A_160, %dma_wait3A_161] : memref<2x640x64xf32, #tpu.memory_space<vmem>> -> memref<1x128x64xf32, #tpu.memory_space<vmem>>
      %dma_wait3A_163 = tpu.memref_squeeze %dma_wait3A_162 : memref<1x128x64xf32, #tpu.memory_space<vmem>> -> memref<128x64xf32, #tpu.memory_space<vmem>>
      %dma_wait3A_164 = arith.constant 0 : i32
      %dma_wait3A_165 = tpu.memref_slice %arg5[%dma_wait3A_157, %dma_wait3A_158, %dma_wait3A_164] : memref<2x5x128xi32, #tpu.memory_space<vmem>> -> memref<1x1x128xi32, #tpu.memory_space<vmem>>
      %dma_wait3A_166 = tpu.memref_squeeze %dma_wait3A_165 : memref<1x1x128xi32, #tpu.memory_space<vmem>> -> memref<128xi32, #tpu.memory_space<vmem>>
      %dma_wait3A_167 = arith.constant 0 : i32
      %dma_wait3A_168 = arith.constant 0 : i32
      %dma_wait3A_169 = tpu.memref_slice %arg3[%dma_wait3A_167, %dma_wait3A_168] : memref<1000000x64xf32, #tpu.memory_space<hbm>> -> memref<1000000x64xf32, #tpu.memory_space<hbm>>
      tpu.wait_indirect_dma semaphore(%arg7 : memref<!tpu.dma_semaphore, #tpu.memory_space<semaphore_mem>>) src(%dma_wait3A_169 : memref<1000000x64xf32, #tpu.memory_space<hbm>>) dst(%dma_wait3A_163 : memref<128x64xf32, #tpu.memory_space<vmem>>)
      %dma_wait3A_170 = arith.constant 0 : i32
      %dma_wait3A_171 = arith.constant 2 : i32
      %dma_wait3A_172 = arith.constant 0 : i32
      %dma_wait3A_173 = arith.constant 256 : i32
      %dma_wait3A_174 = arith.constant 0 : i32
      %dma_wait3A_175 = tpu.memref_slice %arg6[%dma_wait3A_172, %dma_wait3A_173, %dma_wait3A_174] : memref<2x640x64xf32, #tpu.memory_space<vmem>> -> memref<1x128x64xf32, #tpu.memory_space<vmem>>
      %dma_wait3A_176 = tpu.memref_squeeze %dma_wait3A_175 : memref<1x128x64xf32, #tpu.memory_space<vmem>> -> memref<128x64xf32, #tpu.memory_space<vmem>>
      %dma_wait3A_177 = arith.constant 0 : i32
      %dma_wait3A_178 = tpu.memref_slice %arg5[%dma_wait3A_170, %dma_wait3A_171, %dma_wait3A_177] : memref<2x5x128xi32, #tpu.memory_space<vmem>> -> memref<1x1x128xi32, #tpu.memory_space<vmem>>
      %dma_wait3A_179 = tpu.memref_squeeze %dma_wait3A_178 : memref<1x1x128xi32, #tpu.memory_space<vmem>> -> memref<128xi32, #tpu.memory_space<vmem>>
      %dma_wait3A_180 = arith.constant 0 : i32
      %dma_wait3A_181 = arith.constant 0 : i32
      %dma_wait3A_182 = tpu.memref_slice %arg3[%dma_wait3A_180, %dma_wait3A_181] : memref<1000000x64xf32, #tpu.memory_space<hbm>> -> memref<1000000x64xf32, #tpu.memory_space<hbm>>
      tpu.wait_indirect_dma semaphore(%arg7 : memref<!tpu.dma_semaphore, #tpu.memory_space<semaphore_mem>>) src(%dma_wait3A_182 : memref<1000000x64xf32, #tpu.memory_space<hbm>>) dst(%dma_wait3A_176 : memref<128x64xf32, #tpu.memory_space<vmem>>)
      %dma_wait3A_183 = arith.constant 0 : i32
      %dma_wait3A_184 = arith.constant 3 : i32
      %dma_wait3A_185 = arith.constant 0 : i32
      %dma_wait3A_186 = arith.constant 384 : i32
      %dma_wait3A_187 = arith.constant 0 : i32
      %dma_wait3A_188 = tpu.memref_slice %arg6[%dma_wait3A_185, %dma_wait3A_186, %dma_wait3A_187] : memref<2x640x64xf32, #tpu.memory_space<vmem>> -> memref<1x128x64xf32, #tpu.memory_space<vmem>>
      %dma_wait3A_189 = tpu.memref_squeeze %dma_wait3A_188 : memref<1x128x64xf32, #tpu.memory_space<vmem>> -> memref<128x64xf32, #tpu.memory_space<vmem>>
      %dma_wait3A_190 = arith.constant 0 : i32
      %dma_wait3A_191 = tpu.memref_slice %arg5[%dma_wait3A_183, %dma_wait3A_184, %dma_wait3A_190] : memref<2x5x128xi32, #tpu.memory_space<vmem>> -> memref<1x1x128xi32, #tpu.memory_space<vmem>>
      %dma_wait3A_192 = tpu.memref_squeeze %dma_wait3A_191 : memref<1x1x128xi32, #tpu.memory_space<vmem>> -> memref<128xi32, #tpu.memory_space<vmem>>
      %dma_wait3A_193 = arith.constant 0 : i32
      %dma_wait3A_194 = arith.constant 0 : i32
      %dma_wait3A_195 = tpu.memref_slice %arg3[%dma_wait3A_193, %dma_wait3A_194] : memref<1000000x64xf32, #tpu.memory_space<hbm>> -> memref<1000000x64xf32, #tpu.memory_space<hbm>>
      tpu.wait_indirect_dma semaphore(%arg7 : memref<!tpu.dma_semaphore, #tpu.memory_space<semaphore_mem>>) src(%dma_wait3A_195 : memref<1000000x64xf32, #tpu.memory_space<hbm>>) dst(%dma_wait3A_189 : memref<128x64xf32, #tpu.memory_space<vmem>>)
      %dma_wait3A_196 = arith.constant 0 : i32
      %dma_wait3A_197 = arith.constant 4 : i32
      %dma_wait3A_198 = arith.constant 0 : i32
      %dma_wait3A_199 = arith.constant 512 : i32
      %dma_wait3A_200 = arith.constant 0 : i32
      %dma_wait3A_201 = tpu.memref_slice %arg6[%dma_wait3A_198, %dma_wait3A_199, %dma_wait3A_200] : memref<2x640x64xf32, #tpu.memory_space<vmem>> -> memref<1x128x64xf32, #tpu.memory_space<vmem>>
      %dma_wait3A_202 = tpu.memref_squeeze %dma_wait3A_201 : memref<1x128x64xf32, #tpu.memory_space<vmem>> -> memref<128x64xf32, #tpu.memory_space<vmem>>
      %dma_wait3A_203 = arith.constant 0 : i32
      %dma_wait3A_204 = tpu.memref_slice %arg5[%dma_wait3A_196, %dma_wait3A_197, %dma_wait3A_203] : memref<2x5x128xi32, #tpu.memory_space<vmem>> -> memref<1x1x128xi32, #tpu.memory_space<vmem>>
      %dma_wait3A_205 = tpu.memref_squeeze %dma_wait3A_204 : memref<1x1x128xi32, #tpu.memory_space<vmem>> -> memref<128xi32, #tpu.memory_space<vmem>>
      %dma_wait3A_206 = arith.constant 0 : i32
      %dma_wait3A_207 = arith.constant 0 : i32
      %dma_wait3A_208 = tpu.memref_slice %arg3[%dma_wait3A_206, %dma_wait3A_207] : memref<1000000x64xf32, #tpu.memory_space<hbm>> -> memref<1000000x64xf32, #tpu.memory_space<hbm>>
      tpu.wait_indirect_dma semaphore(%arg7 : memref<!tpu.dma_semaphore, #tpu.memory_space<semaphore_mem>>) src(%dma_wait3A_208 : memref<1000000x64xf32, #tpu.memory_space<hbm>>) dst(%dma_wait3A_202 : memref<128x64xf32, #tpu.memory_space<vmem>>)
      %mul3A_209 = arith.constant 2 : i32
      %mul3A_210 = arith.muli %scan3A_6, %mul3A_209 : i32
      %add3A_211 = arith.constant 0 : i32
      %add3A_212 = arith.addi %mul3A_210, %add3A_211 : i32
      %run_scoped3A_213 = arith.constant 0 : i32
      "tpu.region"() ({
        %run_scoped3A_284 = tpu.sem_alloc : memref<!tpu.dma_semaphore, #tpu.memory_space<semaphore_mem>>
        %dma_start3A_285 = arith.constant 0 : i32
        %dma_start3A_286 = arith.constant 0 : i32
        %dma_start3A_287 = tpu.memref_slice %arg6[%run_scoped3A_213, %dma_start3A_285, %dma_start3A_286] : memref<2x640x64xf32, #tpu.memory_space<vmem>> -> memref<1x640x64xf32, #tpu.memory_space<vmem>>
        %dma_start3A_288 = tpu.memref_squeeze %dma_start3A_287 : memref<1x640x64xf32, #tpu.memory_space<vmem>> -> memref<640x64xf32, #tpu.memory_space<vmem>>
        %dma_start3A_289 = arith.constant 0 : i32
        %dma_start3A_290 = arith.constant 0 : i32
        %dma_start3A_291 = tpu.memref_slice %arg4[%add3A, %add3A_212, %dma_start3A_289, %dma_start3A_290] : memref<32x20x640x64xf32, #tpu.memory_space<hbm>> -> memref<1x1x640x64xf32, #tpu.memory_space<hbm>>
        %dma_start3A_292 = tpu.memref_squeeze %dma_start3A_291 : memref<1x1x640x64xf32, #tpu.memory_space<hbm>> -> memref<640x64xf32, #tpu.memory_space<hbm>>
        %dma_start3A_293 = arith.constant 0 : i32
        %dma_start3A_294 = arith.constant 0 : i32
        %dma_start3A_295 = tpu.memref_slice %arg4[%add3A, %add3A_212, %dma_start3A_293, %dma_start3A_294] : memref<32x20x640x64xf32, #tpu.memory_space<hbm>> -> memref<1x1x640x64xf32, #tpu.memory_space<hbm>>
        %dma_start3A_296 = tpu.memref_squeeze %dma_start3A_295 : memref<1x1x640x64xf32, #tpu.memory_space<hbm>> -> memref<640x64xf32, #tpu.memory_space<hbm>>
        %dma_start3A_297 = arith.constant 0 : i32
        %dma_start3A_298 = arith.constant 0 : i32
        %dma_start3A_299 = tpu.memref_slice %arg6[%run_scoped3A_213, %dma_start3A_297, %dma_start3A_298] : memref<2x640x64xf32, #tpu.memory_space<vmem>> -> memref<1x640x64xf32, #tpu.memory_space<vmem>>
        %dma_start3A_300 = tpu.memref_squeeze %dma_start3A_299 : memref<1x640x64xf32, #tpu.memory_space<vmem>> -> memref<640x64xf32, #tpu.memory_space<vmem>>
        tpu.enqueue_dma source(%dma_start3A_300 : memref<640x64xf32, #tpu.memory_space<vmem>>) target(%dma_start3A_296 : memref<640x64xf32, #tpu.memory_space<hbm>>) target_semaphore(%run_scoped3A_284 : memref<!tpu.dma_semaphore, #tpu.memory_space<semaphore_mem>>)
        %dma_wait3A_301 = arith.constant 0 : i32
        %dma_wait3A_302 = arith.constant 0 : i32
        %dma_wait3A_303 = tpu.memref_slice %arg6[%run_scoped3A_213, %dma_wait3A_301, %dma_wait3A_302] : memref<2x640x64xf32, #tpu.memory_space<vmem>> -> memref<1x640x64xf32, #tpu.memory_space<vmem>>
        %dma_wait3A_304 = tpu.memref_squeeze %dma_wait3A_303 : memref<1x640x64xf32, #tpu.memory_space<vmem>> -> memref<640x64xf32, #tpu.memory_space<vmem>>
        %dma_wait3A_305 = arith.constant 0 : i32
        %dma_wait3A_306 = arith.constant 0 : i32
        %dma_wait3A_307 = tpu.memref_slice %arg4[%add3A, %add3A_212, %dma_wait3A_305, %dma_wait3A_306] : memref<32x20x640x64xf32, #tpu.memory_space<hbm>> -> memref<1x1x640x64xf32, #tpu.memory_space<hbm>>
        %dma_wait3A_308 = tpu.memref_squeeze %dma_wait3A_307 : memref<1x1x640x64xf32, #tpu.memory_space<hbm>> -> memref<640x64xf32, #tpu.memory_space<hbm>>
        %dma_wait3A_309 = arith.constant 0 : i32
        %dma_wait3A_310 = arith.constant 0 : i32
        %dma_wait3A_311 = tpu.memref_slice %arg4[%add3A, %add3A_212, %dma_wait3A_309, %dma_wait3A_310] : memref<32x20x640x64xf32, #tpu.memory_space<hbm>> -> memref<1x1x640x64xf32, #tpu.memory_space<hbm>>
        %dma_wait3A_312 = tpu.memref_squeeze %dma_wait3A_311 : memref<1x1x640x64xf32, #tpu.memory_space<hbm>> -> memref<640x64xf32, #tpu.memory_space<hbm>>
        %dma_wait3A_313 = arith.constant 0 : i32
        %dma_wait3A_314 = arith.constant 0 : i32
        %dma_wait3A_315 = tpu.memref_slice %arg6[%run_scoped3A_213, %dma_wait3A_313, %dma_wait3A_314] : memref<2x640x64xf32, #tpu.memory_space<vmem>> -> memref<1x640x64xf32, #tpu.memory_space<vmem>>
        %dma_wait3A_316 = tpu.memref_squeeze %dma_wait3A_315 : memref<1x640x64xf32, #tpu.memory_space<vmem>> -> memref<640x64xf32, #tpu.memory_space<vmem>>
        tpu.wait_dma2 semaphore(%run_scoped3A_284 : memref<!tpu.dma_semaphore, #tpu.memory_space<semaphore_mem>>) src(%dma_wait3A_316 : memref<640x64xf32, #tpu.memory_space<vmem>>) dst(%dma_wait3A_312 : memref<640x64xf32, #tpu.memory_space<hbm>>)
        tpu.yield
      }) : () -> ()
      %dma_wait3A_214 = arith.constant 1 : i32
      %dma_wait3A_215 = arith.constant 0 : i32
      %dma_wait3A_216 = arith.constant 1 : i32
      %dma_wait3A_217 = arith.constant 0 : i32
      %dma_wait3A_218 = arith.constant 0 : i32
      %dma_wait3A_219 = tpu.memref_slice %arg6[%dma_wait3A_216, %dma_wait3A_217, %dma_wait3A_218] : memref<2x640x64xf32, #tpu.memory_space<vmem>> -> memref<1x128x64xf32, #tpu.memory_space<vmem>>
      %dma_wait3A_220 = tpu.memref_squeeze %dma_wait3A_219 : memref<1x128x64xf32, #tpu.memory_space<vmem>> -> memref<128x64xf32, #tpu.memory_space<vmem>>
      %dma_wait3A_221 = arith.constant 0 : i32
      %dma_wait3A_222 = tpu.memref_slice %arg5[%dma_wait3A_214, %dma_wait3A_215, %dma_wait3A_221] : memref<2x5x128xi32, #tpu.memory_space<vmem>> -> memref<1x1x128xi32, #tpu.memory_space<vmem>>
      %dma_wait3A_223 = tpu.memref_squeeze %dma_wait3A_222 : memref<1x1x128xi32, #tpu.memory_space<vmem>> -> memref<128xi32, #tpu.memory_space<vmem>>
      %dma_wait3A_224 = arith.constant 0 : i32
      %dma_wait3A_225 = arith.constant 0 : i32
      %dma_wait3A_226 = tpu.memref_slice %arg3[%dma_wait3A_224, %dma_wait3A_225] : memref<1000000x64xf32, #tpu.memory_space<hbm>> -> memref<1000000x64xf32, #tpu.memory_space<hbm>>
      tpu.wait_indirect_dma semaphore(%arg8 : memref<!tpu.dma_semaphore, #tpu.memory_space<semaphore_mem>>) src(%dma_wait3A_226 : memref<1000000x64xf32, #tpu.memory_space<hbm>>) dst(%dma_wait3A_220 : memref<128x64xf32, #tpu.memory_space<vmem>>)
      %dma_wait3A_227 = arith.constant 1 : i32
      %dma_wait3A_228 = arith.constant 1 : i32
      %dma_wait3A_229 = arith.constant 1 : i32
      %dma_wait3A_230 = arith.constant 128 : i32
      %dma_wait3A_231 = arith.constant 0 : i32
      %dma_wait3A_232 = tpu.memref_slice %arg6[%dma_wait3A_229, %dma_wait3A_230, %dma_wait3A_231] : memref<2x640x64xf32, #tpu.memory_space<vmem>> -> memref<1x128x64xf32, #tpu.memory_space<vmem>>
      %dma_wait3A_233 = tpu.memref_squeeze %dma_wait3A_232 : memref<1x128x64xf32, #tpu.memory_space<vmem>> -> memref<128x64xf32, #tpu.memory_space<vmem>>
      %dma_wait3A_234 = arith.constant 0 : i32
      %dma_wait3A_235 = tpu.memref_slice %arg5[%dma_wait3A_227, %dma_wait3A_228, %dma_wait3A_234] : memref<2x5x128xi32, #tpu.memory_space<vmem>> -> memref<1x1x128xi32, #tpu.memory_space<vmem>>
      %dma_wait3A_236 = tpu.memref_squeeze %dma_wait3A_235 : memref<1x1x128xi32, #tpu.memory_space<vmem>> -> memref<128xi32, #tpu.memory_space<vmem>>
      %dma_wait3A_237 = arith.constant 0 : i32
      %dma_wait3A_238 = arith.constant 0 : i32
      %dma_wait3A_239 = tpu.memref_slice %arg3[%dma_wait3A_237, %dma_wait3A_238] : memref<1000000x64xf32, #tpu.memory_space<hbm>> -> memref<1000000x64xf32, #tpu.memory_space<hbm>>
      tpu.wait_indirect_dma semaphore(%arg8 : memref<!tpu.dma_semaphore, #tpu.memory_space<semaphore_mem>>) src(%dma_wait3A_239 : memref<1000000x64xf32, #tpu.memory_space<hbm>>) dst(%dma_wait3A_233 : memref<128x64xf32, #tpu.memory_space<vmem>>)
      %dma_wait3A_240 = arith.constant 1 : i32
      %dma_wait3A_241 = arith.constant 2 : i32
      %dma_wait3A_242 = arith.constant 1 : i32
      %dma_wait3A_243 = arith.constant 256 : i32
      %dma_wait3A_244 = arith.constant 0 : i32
      %dma_wait3A_245 = tpu.memref_slice %arg6[%dma_wait3A_242, %dma_wait3A_243, %dma_wait3A_244] : memref<2x640x64xf32, #tpu.memory_space<vmem>> -> memref<1x128x64xf32, #tpu.memory_space<vmem>>
      %dma_wait3A_246 = tpu.memref_squeeze %dma_wait3A_245 : memref<1x128x64xf32, #tpu.memory_space<vmem>> -> memref<128x64xf32, #tpu.memory_space<vmem>>
      %dma_wait3A_247 = arith.constant 0 : i32
      %dma_wait3A_248 = tpu.memref_slice %arg5[%dma_wait3A_240, %dma_wait3A_241, %dma_wait3A_247] : memref<2x5x128xi32, #tpu.memory_space<vmem>> -> memref<1x1x128xi32, #tpu.memory_space<vmem>>
      %dma_wait3A_249 = tpu.memref_squeeze %dma_wait3A_248 : memref<1x1x128xi32, #tpu.memory_space<vmem>> -> memref<128xi32, #tpu.memory_space<vmem>>
      %dma_wait3A_250 = arith.constant 0 : i32
      %dma_wait3A_251 = arith.constant 0 : i32
      %dma_wait3A_252 = tpu.memref_slice %arg3[%dma_wait3A_250, %dma_wait3A_251] : memref<1000000x64xf32, #tpu.memory_space<hbm>> -> memref<1000000x64xf32, #tpu.memory_space<hbm>>
      tpu.wait_indirect_dma semaphore(%arg8 : memref<!tpu.dma_semaphore, #tpu.memory_space<semaphore_mem>>) src(%dma_wait3A_252 : memref<1000000x64xf32, #tpu.memory_space<hbm>>) dst(%dma_wait3A_246 : memref<128x64xf32, #tpu.memory_space<vmem>>)
      %dma_wait3A_253 = arith.constant 1 : i32
      %dma_wait3A_254 = arith.constant 3 : i32
      %dma_wait3A_255 = arith.constant 1 : i32
      %dma_wait3A_256 = arith.constant 384 : i32
      %dma_wait3A_257 = arith.constant 0 : i32
      %dma_wait3A_258 = tpu.memref_slice %arg6[%dma_wait3A_255, %dma_wait3A_256, %dma_wait3A_257] : memref<2x640x64xf32, #tpu.memory_space<vmem>> -> memref<1x128x64xf32, #tpu.memory_space<vmem>>
      %dma_wait3A_259 = tpu.memref_squeeze %dma_wait3A_258 : memref<1x128x64xf32, #tpu.memory_space<vmem>> -> memref<128x64xf32, #tpu.memory_space<vmem>>
      %dma_wait3A_260 = arith.constant 0 : i32
      %dma_wait3A_261 = tpu.memref_slice %arg5[%dma_wait3A_253, %dma_wait3A_254, %dma_wait3A_260] : memref<2x5x128xi32, #tpu.memory_space<vmem>> -> memref<1x1x128xi32, #tpu.memory_space<vmem>>
      %dma_wait3A_262 = tpu.memref_squeeze %dma_wait3A_261 : memref<1x1x128xi32, #tpu.memory_space<vmem>> -> memref<128xi32, #tpu.memory_space<vmem>>
      %dma_wait3A_263 = arith.constant 0 : i32
      %dma_wait3A_264 = arith.constant 0 : i32
      %dma_wait3A_265 = tpu.memref_slice %arg3[%dma_wait3A_263, %dma_wait3A_264] : memref<1000000x64xf32, #tpu.memory_space<hbm>> -> memref<1000000x64xf32, #tpu.memory_space<hbm>>
      tpu.wait_indirect_dma semaphore(%arg8 : memref<!tpu.dma_semaphore, #tpu.memory_space<semaphore_mem>>) src(%dma_wait3A_265 : memref<1000000x64xf32, #tpu.memory_space<hbm>>) dst(%dma_wait3A_259 : memref<128x64xf32, #tpu.memory_space<vmem>>)
      %dma_wait3A_266 = arith.constant 1 : i32
      %dma_wait3A_267 = arith.constant 4 : i32
      %dma_wait3A_268 = arith.constant 1 : i32
      %dma_wait3A_269 = arith.constant 512 : i32
      %dma_wait3A_270 = arith.constant 0 : i32
      %dma_wait3A_271 = tpu.memref_slice %arg6[%dma_wait3A_268, %dma_wait3A_269, %dma_wait3A_270] : memref<2x640x64xf32, #tpu.memory_space<vmem>> -> memref<1x128x64xf32, #tpu.memory_space<vmem>>
      %dma_wait3A_272 = tpu.memref_squeeze %dma_wait3A_271 : memref<1x128x64xf32, #tpu.memory_space<vmem>> -> memref<128x64xf32, #tpu.memory_space<vmem>>
      %dma_wait3A_273 = arith.constant 0 : i32
      %dma_wait3A_274 = tpu.memref_slice %arg5[%dma_wait3A_266, %dma_wait3A_267, %dma_wait3A_273] : memref<2x5x128xi32, #tpu.memory_space<vmem>> -> memref<1x1x128xi32, #tpu.memory_space<vmem>>
      %dma_wait3A_275 = tpu.memref_squeeze %dma_wait3A_274 : memref<1x1x128xi32, #tpu.memory_space<vmem>> -> memref<128xi32, #tpu.memory_space<vmem>>
      %dma_wait3A_276 = arith.constant 0 : i32
      %dma_wait3A_277 = arith.constant 0 : i32
      %dma_wait3A_278 = tpu.memref_slice %arg3[%dma_wait3A_276, %dma_wait3A_277] : memref<1000000x64xf32, #tpu.memory_space<hbm>> -> memref<1000000x64xf32, #tpu.memory_space<hbm>>
      tpu.wait_indirect_dma semaphore(%arg8 : memref<!tpu.dma_semaphore, #tpu.memory_space<semaphore_mem>>) src(%dma_wait3A_278 : memref<1000000x64xf32, #tpu.memory_space<hbm>>) dst(%dma_wait3A_272 : memref<128x64xf32, #tpu.memory_space<vmem>>)
      %mul3A_279 = arith.constant 2 : i32
      %mul3A_280 = arith.muli %scan3A_6, %mul3A_279 : i32
      %add3A_281 = arith.constant 1 : i32
      %add3A_282 = arith.addi %mul3A_280, %add3A_281 : i32
      %run_scoped3A_283 = arith.constant 1 : i32
      "tpu.region"() ({
        %run_scoped3A_284 = tpu.sem_alloc : memref<!tpu.dma_semaphore, #tpu.memory_space<semaphore_mem>>
        %dma_start3A_285 = arith.constant 0 : i32
        %dma_start3A_286 = arith.constant 0 : i32
        %dma_start3A_287 = tpu.memref_slice %arg6[%run_scoped3A_283, %dma_start3A_285, %dma_start3A_286] : memref<2x640x64xf32, #tpu.memory_space<vmem>> -> memref<1x640x64xf32, #tpu.memory_space<vmem>>
        %dma_start3A_288 = tpu.memref_squeeze %dma_start3A_287 : memref<1x640x64xf32, #tpu.memory_space<vmem>> -> memref<640x64xf32, #tpu.memory_space<vmem>>
        %dma_start3A_289 = arith.constant 0 : i32
        %dma_start3A_290 = arith.constant 0 : i32
        %dma_start3A_291 = tpu.memref_slice %arg4[%add3A, %add3A_282, %dma_start3A_289, %dma_start3A_290] : memref<32x20x640x64xf32, #tpu.memory_space<hbm>> -> memref<1x1x640x64xf32, #tpu.memory_space<hbm>>
        %dma_start3A_292 = tpu.memref_squeeze %dma_start3A_291 : memref<1x1x640x64xf32, #tpu.memory_space<hbm>> -> memref<640x64xf32, #tpu.memory_space<hbm>>
        %dma_start3A_293 = arith.constant 0 : i32
        %dma_start3A_294 = arith.constant 0 : i32
        %dma_start3A_295 = tpu.memref_slice %arg4[%add3A, %add3A_282, %dma_start3A_293, %dma_start3A_294] : memref<32x20x640x64xf32, #tpu.memory_space<hbm>> -> memref<1x1x640x64xf32, #tpu.memory_space<hbm>>
        %dma_start3A_296 = tpu.memref_squeeze %dma_start3A_295 : memref<1x1x640x64xf32, #tpu.memory_space<hbm>> -> memref<640x64xf32, #tpu.memory_space<hbm>>
        %dma_start3A_297 = arith.constant 0 : i32
        %dma_start3A_298 = arith.constant 0 : i32
        %dma_start3A_299 = tpu.memref_slice %arg6[%run_scoped3A_283, %dma_start3A_297, %dma_start3A_298] : memref<2x640x64xf32, #tpu.memory_space<vmem>> -> memref<1x640x64xf32, #tpu.memory_space<vmem>>
        %dma_start3A_300 = tpu.memref_squeeze %dma_start3A_299 : memref<1x640x64xf32, #tpu.memory_space<vmem>> -> memref<640x64xf32, #tpu.memory_space<vmem>>
        tpu.enqueue_dma source(%dma_start3A_300 : memref<640x64xf32, #tpu.memory_space<vmem>>) target(%dma_start3A_296 : memref<640x64xf32, #tpu.memory_space<hbm>>) target_semaphore(%run_scoped3A_284 : memref<!tpu.dma_semaphore, #tpu.memory_space<semaphore_mem>>)
        %dma_wait3A_301 = arith.constant 0 : i32
        %dma_wait3A_302 = arith.constant 0 : i32
        %dma_wait3A_303 = tpu.memref_slice %arg6[%run_scoped3A_283, %dma_wait3A_301, %dma_wait3A_302] : memref<2x640x64xf32, #tpu.memory_space<vmem>> -> memref<1x640x64xf32, #tpu.memory_space<vmem>>
        %dma_wait3A_304 = tpu.memref_squeeze %dma_wait3A_303 : memref<1x640x64xf32, #tpu.memory_space<vmem>> -> memref<640x64xf32, #tpu.memory_space<vmem>>
        %dma_wait3A_305 = arith.constant 0 : i32
        %dma_wait3A_306 = arith.constant 0 : i32
        %dma_wait3A_307 = tpu.memref_slice %arg4[%add3A, %add3A_282, %dma_wait3A_305, %dma_wait3A_306] : memref<32x20x640x64xf32, #tpu.memory_space<hbm>> -> memref<1x1x640x64xf32, #tpu.memory_space<hbm>>
        %dma_wait3A_308 = tpu.memref_squeeze %dma_wait3A_307 : memref<1x1x640x64xf32, #tpu.memory_space<hbm>> -> memref<640x64xf32, #tpu.memory_space<hbm>>
        %dma_wait3A_309 = arith.constant 0 : i32
        %dma_wait3A_310 = arith.constant 0 : i32
        %dma_wait3A_311 = tpu.memref_slice %arg4[%add3A, %add3A_282, %dma_wait3A_309, %dma_wait3A_310] : memref<32x20x640x64xf32, #tpu.memory_space<hbm>> -> memref<1x1x640x64xf32, #tpu.memory_space<hbm>>
        %dma_wait3A_312 = tpu.memref_squeeze %dma_wait3A_311 : memref<1x1x640x64xf32, #tpu.memory_space<hbm>> -> memref<640x64xf32, #tpu.memory_space<hbm>>
        %dma_wait3A_313 = arith.constant 0 : i32
        %dma_wait3A_314 = arith.constant 0 : i32
        %dma_wait3A_315 = tpu.memref_slice %arg6[%run_scoped3A_283, %dma_wait3A_313, %dma_wait3A_314] : memref<2x640x64xf32, #tpu.memory_space<vmem>> -> memref<1x640x64xf32, #tpu.memory_space<vmem>>
        %dma_wait3A_316 = tpu.memref_squeeze %dma_wait3A_315 : memref<1x640x64xf32, #tpu.memory_space<vmem>> -> memref<640x64xf32, #tpu.memory_space<vmem>>
        tpu.wait_dma2 semaphore(%run_scoped3A_284 : memref<!tpu.dma_semaphore, #tpu.memory_space<semaphore_mem>>) src(%dma_wait3A_316 : memref<640x64xf32, #tpu.memory_space<vmem>>) dst(%dma_wait3A_312 : memref<640x64xf32, #tpu.memory_space<hbm>>)
        tpu.yield
      }) : () -> ()
    }
    %scan3A_5 = arith.constant 10 : i32
    return
  }
}

#map = affine_map<(d0, d1) -> (0, 0, 0, 0)>
#map1 = affine_map<(d0, d1) -> (0, 0)>
module attributes {stable_mosaic.version = 14 : i64} {
  func.func @gather_kernel(%arg0: i32, %arg1: i32, %arg2: memref<32x20x5x128xi32, #tpu.memory_space<hbm>>, %arg3: memref<1000000x64xf32, #tpu.memory_space<hbm>>, %arg4: memref<32x20x640x64xf32, #tpu.memory_space<hbm>>, %arg5: memref<2x5x128xi32, #tpu.memory_space<vmem>>, %arg6: memref<2x640x64xf32, #tpu.memory_space<vmem>>, %arg7: memref<!tpu.dma_semaphore, #tpu.memory_space<semaphore_mem>>, %arg8: memref<!tpu.dma_semaphore, #tpu.memory_space<semaphore_mem>>) attributes {dimension_semantics = [#tpu.dimension_semantics<core_parallel>, #tpu.dimension_semantics<subcore_parallel>], iteration_bounds = array<i64: 2, 16>, scalar_prefetch = 0 : i64, scratch_operands = 4 : i64, tpu.core_type = #tpu.core_type<sc_vector_subcore>, window_params = [{transform_indices = #map}, {transform_indices = #map1}, {transform_indices = #map}]} {
    %mul3A = arith.constant 2 : i32
    %mul3A_0 = arith.muli %arg1, %mul3A : i32
    %add3A = arith.addi %mul3A_0, %arg0 : i32
    %scan3A = arith.constant 0 : i32
    %scan3A_1 = arith.constant 0 : i32
    %scan3A_2 = arith.constant 10 : i32
    %scan3A_3 = arith.addi %scan3A_1, %scan3A_2 : i32
    %scan3A_4 = arith.constant 1 : i32
    scf.for %scan3A_6 = %scan3A_1 to %scan3A_3 step %scan3A_4  : i32 {
      %mul3A_7 = arith.constant 2 : i32
      %mul3A_8 = arith.muli %scan3A_6, %mul3A_7 : i32
      %add3A_9 = arith.constant 0 : i32
      %add3A_10 = arith.addi %mul3A_8, %add3A_9 : i32
      %run_scoped3A = arith.constant 0 : i32
      "tpu.region"() ({
        %run_scoped3A_284 = tpu.sem_alloc : memref<!tpu.dma_semaphore, #tpu.memory_space<semaphore_mem>>
        %dma_start3A_285 = arith.constant 0 : i32
        %dma_start3A_286 = arith.constant 0 : i32
        %dma_start3A_287 = tpu.memref_slice %arg5[%run_scoped3A, %dma_start3A_285, %dma_start3A_286] : memref<2x5x128xi32, #tpu.memory_space<vmem>> -> memref<1x5x128xi32, #tpu.memory_space<vmem>>
        %dma_start3A_288 = tpu.memref_squeeze %dma_start3A_287 : memref<1x5x128xi32, #tpu.memory_space<vmem>> -> memref<5x128xi32, #tpu.memory_space<vmem>>
        %dma_start3A_289 = arith.constant 0 : i32
        %dma_start3A_290 = arith.constant 0 : i32
        %dma_start3A_291 = tpu.memref_slice %arg2[%add3A, %add3A_10, %dma_start3A_289, %dma_start3A_290] : memref<32x20x5x128xi32, #tpu.memory_space<hbm>> -> memref<1x1x5x128xi32, #tpu.memory_space<hbm>>
        %dma_start3A_292 = tpu.memref_squeeze %dma_start3A_291 : memref<1x1x5x128xi32, #tpu.memory_space<hbm>> -> memref<5x128xi32, #tpu.memory_space<hbm>>
        %dma_start3A_293 = arith.constant 0 : i32
        %dma_start3A_294 = arith.constant 0 : i32
        %dma_start3A_295 = tpu.memref_slice %arg5[%run_scoped3A, %dma_start3A_293, %dma_start3A_294] : memref<2x5x128xi32, #tpu.memory_space<vmem>> -> memref<1x5x128xi32, #tpu.memory_space<vmem>>
        %dma_start3A_296 = tpu.memref_squeeze %dma_start3A_295 : memref<1x5x128xi32, #tpu.memory_space<vmem>> -> memref<5x128xi32, #tpu.memory_space<vmem>>
        %dma_start3A_297 = arith.constant 0 : i32
        %dma_start3A_298 = arith.constant 0 : i32
        %dma_start3A_299 = tpu.memref_slice %arg2[%add3A, %add3A_10, %dma_start3A_297, %dma_start3A_298] : memref<32x20x5x128xi32, #tpu.memory_space<hbm>> -> memref<1x1x5x128xi32, #tpu.memory_space<hbm>>
        %dma_start3A_300 = tpu.memref_squeeze %dma_start3A_299 : memref<1x1x5x128xi32, #tpu.memory_space<hbm>> -> memref<5x128xi32, #tpu.memory_space<hbm>>
        tpu.enqueue_dma source(%dma_start3A_300 : memref<5x128xi32, #tpu.memory_space<hbm>>) target(%dma_start3A_296 : memref<5x128xi32, #tpu.memory_space<vmem>>) target_semaphore(%run_scoped3A_284 : memref<!tpu.dma_semaphore, #tpu.memory_space<semaphore_mem>>)
        %dma_wait3A_301 = arith.constant 0 : i32
        %dma_wait3A_302 = arith.constant 0 : i32
        %dma_wait3A_303 = tpu.memref_slice %arg5[%run_scoped3A, %dma_wait3A_301, %dma_wait3A_302] : memref<2x5x128xi32, #tpu.memory_space<vmem>> -> memref<1x5x128xi32, #tpu.memory_space<vmem>>
        %dma_wait3A_304 = tpu.memref_squeeze %dma_wait3A_303 : memref<1x5x128xi32, #tpu.memory_space<vmem>> -> memref<5x128xi32, #tpu.memory_space<vmem>>
        %dma_wait3A_305 = arith.constant 0 : i32
        %dma_wait3A_306 = arith.constant 0 : i32
        %dma_wait3A_307 = tpu.memref_slice %arg2[%add3A, %add3A_10, %dma_wait3A_305, %dma_wait3A_306] : memref<32x20x5x128xi32, #tpu.memory_space<hbm>> -> memref<1x1x5x128xi32, #tpu.memory_space<hbm>>
        %dma_wait3A_308 = tpu.memref_squeeze %dma_wait3A_307 : memref<1x1x5x128xi32, #tpu.memory_space<hbm>> -> memref<5x128xi32, #tpu.memory_space<hbm>>
        %dma_wait3A_309 = arith.constant 0 : i32
        %dma_wait3A_310 = arith.constant 0 : i32
        %dma_wait3A_311 = tpu.memref_slice %arg5[%run_scoped3A, %dma_wait3A_309, %dma_wait3A_310] : memref<2x5x128xi32, #tpu.memory_space<vmem>> -> memref<1x5x128xi32, #tpu.memory_space<vmem>>
        %dma_wait3A_312 = tpu.memref_squeeze %dma_wait3A_311 : memref<1x5x128xi32, #tpu.memory_space<vmem>> -> memref<5x128xi32, #tpu.memory_space<vmem>>
        %dma_wait3A_313 = arith.constant 0 : i32
        %dma_wait3A_314 = arith.constant 0 : i32
        %dma_wait3A_315 = tpu.memref_slice %arg2[%add3A, %add3A_10, %dma_wait3A_313, %dma_wait3A_314] : memref<32x20x5x128xi32, #tpu.memory_space<hbm>> -> memref<1x1x5x128xi32, #tpu.memory_space<hbm>>
        %dma_wait3A_316 = tpu.memref_squeeze %dma_wait3A_315 : memref<1x1x5x128xi32, #tpu.memory_space<hbm>> -> memref<5x128xi32, #tpu.memory_space<hbm>>
        tpu.wait_dma2 semaphore(%run_scoped3A_284 : memref<!tpu.dma_semaphore, #tpu.memory_space<semaphore_mem>>) src(%dma_wait3A_316 : memref<5x128xi32, #tpu.memory_space<hbm>>) dst(%dma_wait3A_312 : memref<5x128xi32, #tpu.memory_space<vmem>>)
        tpu.yield
      }) : () -> ()
      %dma_start3A = arith.constant 0 : i32
      %dma_start3A_11 = arith.constant 0 : i32
      %dma_start3A_12 = arith.constant 0 : i32
      %dma_start3A_13 = arith.constant 0 : i32
      %dma_start3A_14 = arith.constant 0 : i32
      %dma_start3A_15 = tpu.memref_slice %arg6[%dma_start3A_12, %dma_start3A_13, %dma_start3A_14] : memref<2x640x64xf32, #tpu.memory_space<vmem>> -> memref<1x128x64xf32, #tpu.memory_space<vmem>>
      %dma_start3A_16 = tpu.memref_squeeze %dma_start3A_15 : memref<1x128x64xf32, #tpu.memory_space<vmem>> -> memref<128x64xf32, #tpu.memory_space<vmem>>
      %dma_start3A_17 = arith.constant 0 : i32
      %dma_start3A_18 = tpu.memref_slice %arg5[%dma_start3A, %dma_start3A_11, %dma_start3A_17] : memref<2x5x128xi32, #tpu.memory_space<vmem>> -> memref<1x1x128xi32, #tpu.memory_space<vmem>>
      %dma_start3A_19 = tpu.memref_squeeze %dma_start3A_18 : memref<1x1x128xi32, #tpu.memory_space<vmem>> -> memref<128xi32, #tpu.memory_space<vmem>>
      %dma_start3A_20 = arith.constant 0 : i32
      %dma_start3A_21 = arith.constant 0 : i32
      %dma_start3A_22 = tpu.memref_slice %arg3[%dma_start3A_20, %dma_start3A_21] : memref<1000000x64xf32, #tpu.memory_space<hbm>> -> memref<1000000x64xf32, #tpu.memory_space<hbm>>
      tpu.enqueue_indirect_dma source(%dma_start3A_22 : memref<1000000x64xf32, #tpu.memory_space<hbm>>) target(%dma_start3A_16 : memref<128x64xf32, #tpu.memory_space<vmem>>) offsets(%dma_start3A_19 : memref<128xi32, #tpu.memory_space<vmem>>) semaphore(%arg7 : memref<!tpu.dma_semaphore, #tpu.memory_space<semaphore_mem>>)
      %dma_start3A_23 = arith.constant 0 : i32
      %dma_start3A_24 = arith.constant 1 : i32
      %dma_start3A_25 = arith.constant 0 : i32
      %dma_start3A_26 = arith.constant 128 : i32
      %dma_start3A_27 = arith.constant 0 : i32
      %dma_start3A_28 = tpu.memref_slice %arg6[%dma_start3A_25, %dma_start3A_26, %dma_start3A_27] : memref<2x640x64xf32, #tpu.memory_space<vmem>> -> memref<1x128x64xf32, #tpu.memory_space<vmem>>
      %dma_start3A_29 = tpu.memref_squeeze %dma_start3A_28 : memref<1x128x64xf32, #tpu.memory_space<vmem>> -> memref<128x64xf32, #tpu.memory_space<vmem>>
      %dma_start3A_30 = arith.constant 0 : i32
      %dma_start3A_31 = tpu.memref_slice %arg5[%dma_start3A_23, %dma_start3A_24, %dma_start3A_30] : memref<2x5x128xi32, #tpu.memory_space<vmem>> -> memref<1x1x128xi32, #tpu.memory_space<vmem>>
      %dma_start3A_32 = tpu.memref_squeeze %dma_start3A_31 : memref<1x1x128xi32, #tpu.memory_space<vmem>> -> memref<128xi32, #tpu.memory_space<vmem>>
      %dma_start3A_33 = arith.constant 0 : i32
      %dma_start3A_34 = arith.constant 0 : i32
      %dma_start3A_35 = tpu.memref_slice %arg3[%dma_start3A_33, %dma_start3A_34] : memref<1000000x64xf32, #tpu.memory_space<hbm>> -> memref<1000000x64xf32, #tpu.memory_space<hbm>>
      tpu.enqueue_indirect_dma source(%dma_start3A_35 : memref<1000000x64xf32, #tpu.memory_space<hbm>>) target(%dma_start3A_29 : memref<128x64xf32, #tpu.memory_space<vmem>>) offsets(%dma_start3A_32 : memref<128xi32, #tpu.memory_space<vmem>>) semaphore(%arg7 : memref<!tpu.dma_semaphore, #tpu.memory_space<semaphore_mem>>)
      %dma_start3A_36 = arith.constant 0 : i32
      %dma_start3A_37 = arith.constant 2 : i32
      %dma_start3A_38 = arith.constant 0 : i32
      %dma_start3A_39 = arith.constant 256 : i32
      %dma_start3A_40 = arith.constant 0 : i32
      %dma_start3A_41 = tpu.memref_slice %arg6[%dma_start3A_38, %dma_start3A_39, %dma_start3A_40] : memref<2x640x64xf32, #tpu.memory_space<vmem>> -> memref<1x128x64xf32, #tpu.memory_space<vmem>>
      %dma_start3A_42 = tpu.memref_squeeze %dma_start3A_41 : memref<1x128x64xf32, #tpu.memory_space<vmem>> -> memref<128x64xf32, #tpu.memory_space<vmem>>
      %dma_start3A_43 = arith.constant 0 : i32
      %dma_start3A_44 = tpu.memref_slice %arg5[%dma_start3A_36, %dma_start3A_37, %dma_start3A_43] : memref<2x5x128xi32, #tpu.memory_space<vmem>> -> memref<1x1x128xi32, #tpu.memory_space<vmem>>
      %dma_start3A_45 = tpu.memref_squeeze %dma_start3A_44 : memref<1x1x128xi32, #tpu.memory_space<vmem>> -> memref<128xi32, #tpu.memory_space<vmem>>
      %dma_start3A_46 = arith.constant 0 : i32
      %dma_start3A_47 = arith.constant 0 : i32
      %dma_start3A_48 = tpu.memref_slice %arg3[%dma_start3A_46, %dma_start3A_47] : memref<1000000x64xf32, #tpu.memory_space<hbm>> -> memref<1000000x64xf32, #tpu.memory_space<hbm>>
      tpu.enqueue_indirect_dma source(%dma_start3A_48 : memref<1000000x64xf32, #tpu.memory_space<hbm>>) target(%dma_start3A_42 : memref<128x64xf32, #tpu.memory_space<vmem>>) offsets(%dma_start3A_45 : memref<128xi32, #tpu.memory_space<vmem>>) semaphore(%arg7 : memref<!tpu.dma_semaphore, #tpu.memory_space<semaphore_mem>>)
      %dma_start3A_49 = arith.constant 0 : i32
      %dma_start3A_50 = arith.constant 3 : i32
      %dma_start3A_51 = arith.constant 0 : i32
      %dma_start3A_52 = arith.constant 384 : i32
      %dma_start3A_53 = arith.constant 0 : i32
      %dma_start3A_54 = tpu.memref_slice %arg6[%dma_start3A_51, %dma_start3A_52, %dma_start3A_53] : memref<2x640x64xf32, #tpu.memory_space<vmem>> -> memref<1x128x64xf32, #tpu.memory_space<vmem>>
      %dma_start3A_55 = tpu.memref_squeeze %dma_start3A_54 : memref<1x128x64xf32, #tpu.memory_space<vmem>> -> memref<128x64xf32, #tpu.memory_space<vmem>>
      %dma_start3A_56 = arith.constant 0 : i32
      %dma_start3A_57 = tpu.memref_slice %arg5[%dma_start3A_49, %dma_start3A_50, %dma_start3A_56] : memref<2x5x128xi32, #tpu.memory_space<vmem>> -> memref<1x1x128xi32, #tpu.memory_space<vmem>>
      %dma_start3A_58 = tpu.memref_squeeze %dma_start3A_57 : memref<1x1x128xi32, #tpu.memory_space<vmem>> -> memref<128xi32, #tpu.memory_space<vmem>>
      %dma_start3A_59 = arith.constant 0 : i32
      %dma_start3A_60 = arith.constant 0 : i32
      %dma_start3A_61 = tpu.memref_slice %arg3[%dma_start3A_59, %dma_start3A_60] : memref<1000000x64xf32, #tpu.memory_space<hbm>> -> memref<1000000x64xf32, #tpu.memory_space<hbm>>
      tpu.enqueue_indirect_dma source(%dma_start3A_61 : memref<1000000x64xf32, #tpu.memory_space<hbm>>) target(%dma_start3A_55 : memref<128x64xf32, #tpu.memory_space<vmem>>) offsets(%dma_start3A_58 : memref<128xi32, #tpu.memory_space<vmem>>) semaphore(%arg7 : memref<!tpu.dma_semaphore, #tpu.memory_space<semaphore_mem>>)
      %dma_start3A_62 = arith.constant 0 : i32
      %dma_start3A_63 = arith.constant 4 : i32
      %dma_start3A_64 = arith.constant 0 : i32
      %dma_start3A_65 = arith.constant 512 : i32
      %dma_start3A_66 = arith.constant 0 : i32
      %dma_start3A_67 = tpu.memref_slice %arg6[%dma_start3A_64, %dma_start3A_65, %dma_start3A_66] : memref<2x640x64xf32, #tpu.memory_space<vmem>> -> memref<1x128x64xf32, #tpu.memory_space<vmem>>
      %dma_start3A_68 = tpu.memref_squeeze %dma_start3A_67 : memref<1x128x64xf32, #tpu.memory_space<vmem>> -> memref<128x64xf32, #tpu.memory_space<vmem>>
      %dma_start3A_69 = arith.constant 0 : i32
      %dma_start3A_70 = tpu.memref_slice %arg5[%dma_start3A_62, %dma_start3A_63, %dma_start3A_69] : memref<2x5x128xi32, #tpu.memory_space<vmem>> -> memref<1x1x128xi32, #tpu.memory_space<vmem>>
      %dma_start3A_71 = tpu.memref_squeeze %dma_start3A_70 : memref<1x1x128xi32, #tpu.memory_space<vmem>> -> memref<128xi32, #tpu.memory_space<vmem>>
      %dma_start3A_72 = arith.constant 0 : i32
      %dma_start3A_73 = arith.constant 0 : i32
      %dma_start3A_74 = tpu.memref_slice %arg3[%dma_start3A_72, %dma_start3A_73] : memref<1000000x64xf32, #tpu.memory_space<hbm>> -> memref<1000000x64xf32, #tpu.memory_space<hbm>>
      tpu.enqueue_indirect_dma source(%dma_start3A_74 : memref<1000000x64xf32, #tpu.memory_space<hbm>>) target(%dma_start3A_68 : memref<128x64xf32, #tpu.memory_space<vmem>>) offsets(%dma_start3A_71 : memref<128xi32, #tpu.memory_space<vmem>>) semaphore(%arg7 : memref<!tpu.dma_semaphore, #tpu.memory_space<semaphore_mem>>)
      %mul3A_75 = arith.constant 2 : i32
      %mul3A_76 = arith.muli %scan3A_6, %mul3A_75 : i32
      %add3A_77 = arith.constant 1 : i32
      %add3A_78 = arith.addi %mul3A_76, %add3A_77 : i32
      %run_scoped3A_79 = arith.constant 1 : i32
      "tpu.region"() ({
        %run_scoped3A_284 = tpu.sem_alloc : memref<!tpu.dma_semaphore, #tpu.memory_space<semaphore_mem>>
        %dma_start3A_285 = arith.constant 0 : i32
        %dma_start3A_286 = arith.constant 0 : i32
        %dma_start3A_287 = tpu.memref_slice %arg5[%run_scoped3A_79, %dma_start3A_285, %dma_start3A_286] : memref<2x5x128xi32, #tpu.memory_space<vmem>> -> memref<1x5x128xi32, #tpu.memory_space<vmem>>
        %dma_start3A_288 = tpu.memref_squeeze %dma_start3A_287 : memref<1x5x128xi32, #tpu.memory_space<vmem>> -> memref<5x128xi32, #tpu.memory_space<vmem>>
        %dma_start3A_289 = arith.constant 0 : i32
        %dma_start3A_290 = arith.constant 0 : i32
        %dma_start3A_291 = tpu.memref_slice %arg2[%add3A, %add3A_78, %dma_start3A_289, %dma_start3A_290] : memref<32x20x5x128xi32, #tpu.memory_space<hbm>> -> memref<1x1x5x128xi32, #tpu.memory_space<hbm>>
        %dma_start3A_292 = tpu.memref_squeeze %dma_start3A_291 : memref<1x1x5x128xi32, #tpu.memory_space<hbm>> -> memref<5x128xi32, #tpu.memory_space<hbm>>
        %dma_start3A_293 = arith.constant 0 : i32
        %dma_start3A_294 = arith.constant 0 : i32
        %dma_start3A_295 = tpu.memref_slice %arg5[%run_scoped3A_79, %dma_start3A_293, %dma_start3A_294] : memref<2x5x128xi32, #tpu.memory_space<vmem>> -> memref<1x5x128xi32, #tpu.memory_space<vmem>>
        %dma_start3A_296 = tpu.memref_squeeze %dma_start3A_295 : memref<1x5x128xi32, #tpu.memory_space<vmem>> -> memref<5x128xi32, #tpu.memory_space<vmem>>
        %dma_start3A_297 = arith.constant 0 : i32
        %dma_start3A_298 = arith.constant 0 : i32
        %dma_start3A_299 = tpu.memref_slice %arg2[%add3A, %add3A_78, %dma_start3A_297, %dma_start3A_298] : memref<32x20x5x128xi32, #tpu.memory_space<hbm>> -> memref<1x1x5x128xi32, #tpu.memory_space<hbm>>
        %dma_start3A_300 = tpu.memref_squeeze %dma_start3A_299 : memref<1x1x5x128xi32, #tpu.memory_space<hbm>> -> memref<5x128xi32, #tpu.memory_space<hbm>>
        tpu.enqueue_dma source(%dma_start3A_300 : memref<5x128xi32, #tpu.memory_space<hbm>>) target(%dma_start3A_296 : memref<5x128xi32, #tpu.memory_space<vmem>>) target_semaphore(%run_scoped3A_284 : memref<!tpu.dma_semaphore, #tpu.memory_space<semaphore_mem>>)
        %dma_wait3A_301 = arith.constant 0 : i32
        %dma_wait3A_302 = arith.constant 0 : i32
        %dma_wait3A_303 = tpu.memref_slice %arg5[%run_scoped3A_79, %dma_wait3A_301, %dma_wait3A_302] : memref<2x5x128xi32, #tpu.memory_space<vmem>> -> memref<1x5x128xi32, #tpu.memory_space<vmem>>
        %dma_wait3A_304 = tpu.memref_squeeze %dma_wait3A_303 : memref<1x5x128xi32, #tpu.memory_space<vmem>> -> memref<5x128xi32, #tpu.memory_space<vmem>>
        %dma_wait3A_305 = arith.constant 0 : i32
        %dma_wait3A_306 = arith.constant 0 : i32
        %dma_wait3A_307 = tpu.memref_slice %arg2[%add3A, %add3A_78, %dma_wait3A_305, %dma_wait3A_306] : memref<32x20x5x128xi32, #tpu.memory_space<hbm>> -> memref<1x1x5x128xi32, #tpu.memory_space<hbm>>
        %dma_wait3A_308 = tpu.memref_squeeze %dma_wait3A_307 : memref<1x1x5x128xi32, #tpu.memory_space<hbm>> -> memref<5x128xi32, #tpu.memory_space<hbm>>
        %dma_wait3A_309 = arith.constant 0 : i32
        %dma_wait3A_310 = arith.constant 0 : i32
        %dma_wait3A_311 = tpu.memref_slice %arg5[%run_scoped3A_79, %dma_wait3A_309, %dma_wait3A_310] : memref<2x5x128xi32, #tpu.memory_space<vmem>> -> memref<1x5x128xi32, #tpu.memory_space<vmem>>
        %dma_wait3A_312 = tpu.memref_squeeze %dma_wait3A_311 : memref<1x5x128xi32, #tpu.memory_space<vmem>> -> memref<5x128xi32, #tpu.memory_space<vmem>>
        %dma_wait3A_313 = arith.constant 0 : i32
        %dma_wait3A_314 = arith.constant 0 : i32
        %dma_wait3A_315 = tpu.memref_slice %arg2[%add3A, %add3A_78, %dma_wait3A_313, %dma_wait3A_314] : memref<32x20x5x128xi32, #tpu.memory_space<hbm>> -> memref<1x1x5x128xi32, #tpu.memory_space<hbm>>
        %dma_wait3A_316 = tpu.memref_squeeze %dma_wait3A_315 : memref<1x1x5x128xi32, #tpu.memory_space<hbm>> -> memref<5x128xi32, #tpu.memory_space<hbm>>
        tpu.wait_dma2 semaphore(%run_scoped3A_284 : memref<!tpu.dma_semaphore, #tpu.memory_space<semaphore_mem>>) src(%dma_wait3A_316 : memref<5x128xi32, #tpu.memory_space<hbm>>) dst(%dma_wait3A_312 : memref<5x128xi32, #tpu.memory_space<vmem>>)
        tpu.yield
      }) : () -> ()
      %dma_start3A_80 = arith.constant 1 : i32
      %dma_start3A_81 = arith.constant 0 : i32
      %dma_start3A_82 = arith.constant 1 : i32
      %dma_start3A_83 = arith.constant 0 : i32
      %dma_start3A_84 = arith.constant 0 : i32
      %dma_start3A_85 = tpu.memref_slice %arg6[%dma_start3A_82, %dma_start3A_83, %dma_start3A_84] : memref<2x640x64xf32, #tpu.memory_space<vmem>> -> memref<1x128x64xf32, #tpu.memory_space<vmem>>
      %dma_start3A_86 = tpu.memref_squeeze %dma_start3A_85 : memref<1x128x64xf32, #tpu.memory_space<vmem>> -> memref<128x64xf32, #tpu.memory_space<vmem>>
      %dma_start3A_87 = arith.constant 0 : i32
      %dma_start3A_88 = tpu.memref_slice %arg5[%dma_start3A_80, %dma_start3A_81, %dma_start3A_87] : memref<2x5x128xi32, #tpu.memory_space<vmem>> -> memref<1x1x128xi32, #tpu.memory_space<vmem>>
      %dma_start3A_89 = tpu.memref_squeeze %dma_start3A_88 : memref<1x1x128xi32, #tpu.memory_space<vmem>> -> memref<128xi32, #tpu.memory_space<vmem>>
      %dma_start3A_90 = arith.constant 0 : i32
      %dma_start3A_91 = arith.constant 0 : i32
      %dma_start3A_92 = tpu.memref_slice %arg3[%dma_start3A_90, %dma_start3A_91] : memref<1000000x64xf32, #tpu.memory_space<hbm>> -> memref<1000000x64xf32, #tpu.memory_space<hbm>>
      tpu.enqueue_indirect_dma source(%dma_start3A_92 : memref<1000000x64xf32, #tpu.memory_space<hbm>>) target(%dma_start3A_86 : memref<128x64xf32, #tpu.memory_space<vmem>>) offsets(%dma_start3A_89 : memref<128xi32, #tpu.memory_space<vmem>>) semaphore(%arg8 : memref<!tpu.dma_semaphore, #tpu.memory_space<semaphore_mem>>)
      %dma_start3A_93 = arith.constant 1 : i32
      %dma_start3A_94 = arith.constant 1 : i32
      %dma_start3A_95 = arith.constant 1 : i32
      %dma_start3A_96 = arith.constant 128 : i32
      %dma_start3A_97 = arith.constant 0 : i32
      %dma_start3A_98 = tpu.memref_slice %arg6[%dma_start3A_95, %dma_start3A_96, %dma_start3A_97] : memref<2x640x64xf32, #tpu.memory_space<vmem>> -> memref<1x128x64xf32, #tpu.memory_space<vmem>>
      %dma_start3A_99 = tpu.memref_squeeze %dma_start3A_98 : memref<1x128x64xf32, #tpu.memory_space<vmem>> -> memref<128x64xf32, #tpu.memory_space<vmem>>
      %dma_start3A_100 = arith.constant 0 : i32
      %dma_start3A_101 = tpu.memref_slice %arg5[%dma_start3A_93, %dma_start3A_94, %dma_start3A_100] : memref<2x5x128xi32, #tpu.memory_space<vmem>> -> memref<1x1x128xi32, #tpu.memory_space<vmem>>
      %dma_start3A_102 = tpu.memref_squeeze %dma_start3A_101 : memref<1x1x128xi32, #tpu.memory_space<vmem>> -> memref<128xi32, #tpu.memory_space<vmem>>
      %dma_start3A_103 = arith.constant 0 : i32
      %dma_start3A_104 = arith.constant 0 : i32
      %dma_start3A_105 = tpu.memref_slice %arg3[%dma_start3A_103, %dma_start3A_104] : memref<1000000x64xf32, #tpu.memory_space<hbm>> -> memref<1000000x64xf32, #tpu.memory_space<hbm>>
      tpu.enqueue_indirect_dma source(%dma_start3A_105 : memref<1000000x64xf32, #tpu.memory_space<hbm>>) target(%dma_start3A_99 : memref<128x64xf32, #tpu.memory_space<vmem>>) offsets(%dma_start3A_102 : memref<128xi32, #tpu.memory_space<vmem>>) semaphore(%arg8 : memref<!tpu.dma_semaphore, #tpu.memory_space<semaphore_mem>>)
      %dma_start3A_106 = arith.constant 1 : i32
      %dma_start3A_107 = arith.constant 2 : i32
      %dma_start3A_108 = arith.constant 1 : i32
      %dma_start3A_109 = arith.constant 256 : i32
      %dma_start3A_110 = arith.constant 0 : i32
      %dma_start3A_111 = tpu.memref_slice %arg6[%dma_start3A_108, %dma_start3A_109, %dma_start3A_110] : memref<2x640x64xf32, #tpu.memory_space<vmem>> -> memref<1x128x64xf32, #tpu.memory_space<vmem>>
      %dma_start3A_112 = tpu.memref_squeeze %dma_start3A_111 : memref<1x128x64xf32, #tpu.memory_space<vmem>> -> memref<128x64xf32, #tpu.memory_space<vmem>>
      %dma_start3A_113 = arith.constant 0 : i32
      %dma_start3A_114 = tpu.memref_slice %arg5[%dma_start3A_106, %dma_start3A_107, %dma_start3A_113] : memref<2x5x128xi32, #tpu.memory_space<vmem>> -> memref<1x1x128xi32, #tpu.memory_space<vmem>>
      %dma_start3A_115 = tpu.memref_squeeze %dma_start3A_114 : memref<1x1x128xi32, #tpu.memory_space<vmem>> -> memref<128xi32, #tpu.memory_space<vmem>>
      %dma_start3A_116 = arith.constant 0 : i32
      %dma_start3A_117 = arith.constant 0 : i32
      %dma_start3A_118 = tpu.memref_slice %arg3[%dma_start3A_116, %dma_start3A_117] : memref<1000000x64xf32, #tpu.memory_space<hbm>> -> memref<1000000x64xf32, #tpu.memory_space<hbm>>
      tpu.enqueue_indirect_dma source(%dma_start3A_118 : memref<1000000x64xf32, #tpu.memory_space<hbm>>) target(%dma_start3A_112 : memref<128x64xf32, #tpu.memory_space<vmem>>) offsets(%dma_start3A_115 : memref<128xi32, #tpu.memory_space<vmem>>) semaphore(%arg8 : memref<!tpu.dma_semaphore, #tpu.memory_space<semaphore_mem>>)
      %dma_start3A_119 = arith.constant 1 : i32
      %dma_start3A_120 = arith.constant 3 : i32
      %dma_start3A_121 = arith.constant 1 : i32
      %dma_start3A_122 = arith.constant 384 : i32
      %dma_start3A_123 = arith.constant 0 : i32
      %dma_start3A_124 = tpu.memref_slice %arg6[%dma_start3A_121, %dma_start3A_122, %dma_start3A_123] : memref<2x640x64xf32, #tpu.memory_space<vmem>> -> memref<1x128x64xf32, #tpu.memory_space<vmem>>
      %dma_start3A_125 = tpu.memref_squeeze %dma_start3A_124 : memref<1x128x64xf32, #tpu.memory_space<vmem>> -> memref<128x64xf32, #tpu.memory_space<vmem>>
      %dma_start3A_126 = arith.constant 0 : i32
      %dma_start3A_127 = tpu.memref_slice %arg5[%dma_start3A_119, %dma_start3A_120, %dma_start3A_126] : memref<2x5x128xi32, #tpu.memory_space<vmem>> -> memref<1x1x128xi32, #tpu.memory_space<vmem>>
      %dma_start3A_128 = tpu.memref_squeeze %dma_start3A_127 : memref<1x1x128xi32, #tpu.memory_space<vmem>> -> memref<128xi32, #tpu.memory_space<vmem>>
      %dma_start3A_129 = arith.constant 0 : i32
      %dma_start3A_130 = arith.constant 0 : i32
      %dma_start3A_131 = tpu.memref_slice %arg3[%dma_start3A_129, %dma_start3A_130] : memref<1000000x64xf32, #tpu.memory_space<hbm>> -> memref<1000000x64xf32, #tpu.memory_space<hbm>>
      tpu.enqueue_indirect_dma source(%dma_start3A_131 : memref<1000000x64xf32, #tpu.memory_space<hbm>>) target(%dma_start3A_125 : memref<128x64xf32, #tpu.memory_space<vmem>>) offsets(%dma_start3A_128 : memref<128xi32, #tpu.memory_space<vmem>>) semaphore(%arg8 : memref<!tpu.dma_semaphore, #tpu.memory_space<semaphore_mem>>)
      %dma_start3A_132 = arith.constant 1 : i32
      %dma_start3A_133 = arith.constant 4 : i32
      %dma_start3A_134 = arith.constant 1 : i32
      %dma_start3A_135 = arith.constant 512 : i32
      %dma_start3A_136 = arith.constant 0 : i32
      %dma_start3A_137 = tpu.memref_slice %arg6[%dma_start3A_134, %dma_start3A_135, %dma_start3A_136] : memref<2x640x64xf32, #tpu.memory_space<vmem>> -> memref<1x128x64xf32, #tpu.memory_space<vmem>>
      %dma_start3A_138 = tpu.memref_squeeze %dma_start3A_137 : memref<1x128x64xf32, #tpu.memory_space<vmem>> -> memref<128x64xf32, #tpu.memory_space<vmem>>
      %dma_start3A_139 = arith.constant 0 : i32
      %dma_start3A_140 = tpu.memref_slice %arg5[%dma_start3A_132, %dma_start3A_133, %dma_start3A_139] : memref<2x5x128xi32, #tpu.memory_space<vmem>> -> memref<1x1x128xi32, #tpu.memory_space<vmem>>
      %dma_start3A_141 = tpu.memref_squeeze %dma_start3A_140 : memref<1x1x128xi32, #tpu.memory_space<vmem>> -> memref<128xi32, #tpu.memory_space<vmem>>
      %dma_start3A_142 = arith.constant 0 : i32
      %dma_start3A_143 = arith.constant 0 : i32
      %dma_start3A_144 = tpu.memref_slice %arg3[%dma_start3A_142, %dma_start3A_143] : memref<1000000x64xf32, #tpu.memory_space<hbm>> -> memref<1000000x64xf32, #tpu.memory_space<hbm>>
      tpu.enqueue_indirect_dma source(%dma_start3A_144 : memref<1000000x64xf32, #tpu.memory_space<hbm>>) target(%dma_start3A_138 : memref<128x64xf32, #tpu.memory_space<vmem>>) offsets(%dma_start3A_141 : memref<128xi32, #tpu.memory_space<vmem>>) semaphore(%arg8 : memref<!tpu.dma_semaphore, #tpu.memory_space<semaphore_mem>>)
      %dma_wait3A = arith.constant 0 : i32
      %dma_wait3A_145 = arith.constant 0 : i32
      %dma_wait3A_146 = arith.constant 0 : i32
      %dma_wait3A_147 = arith.constant 0 : i32
      %dma_wait3A_148 = arith.constant 0 : i32
      %dma_wait3A_149 = tpu.memref_slice %arg6[%dma_wait3A_146, %dma_wait3A_147, %dma_wait3A_148] : memref<2x640x64xf32, #tpu.memory_space<vmem>> -> memref<1x128x64xf32, #tpu.memory_space<vmem>>
      %dma_wait3A_150 = tpu.memref_squeeze %dma_wait3A_149 : memref<1x128x64xf32, #tpu.memory_space<vmem>> -> memref<128x64xf32, #tpu.memory_space<vmem>>
      %dma_wait3A_151 = arith.constant 0 : i32
      %dma_wait3A_152 = tpu.memref_slice %arg5[%dma_wait3A, %dma_wait3A_145, %dma_wait3A_151] : memref<2x5x128xi32, #tpu.memory_space<vmem>> -> memref<1x1x128xi32, #tpu.memory_space<vmem>>
      %dma_wait3A_153 = tpu.memref_squeeze %dma_wait3A_152 : memref<1x1x128xi32, #tpu.memory_space<vmem>> -> memref<128xi32, #tpu.memory_space<vmem>>
      %dma_wait3A_154 = arith.constant 0 : i32
      %dma_wait3A_155 = arith.constant 0 : i32
      %dma_wait3A_156 = tpu.memref_slice %arg3[%dma_wait3A_154, %dma_wait3A_155] : memref<1000000x64xf32, #tpu.memory_space<hbm>> -> memref<1000000x64xf32, #tpu.memory_space<hbm>>
      tpu.wait_indirect_dma semaphore(%arg7 : memref<!tpu.dma_semaphore, #tpu.memory_space<semaphore_mem>>) src(%dma_wait3A_156 : memref<1000000x64xf32, #tpu.memory_space<hbm>>) dst(%dma_wait3A_150 : memref<128x64xf32, #tpu.memory_space<vmem>>)
      %dma_wait3A_157 = arith.constant 0 : i32
      %dma_wait3A_158 = arith.constant 1 : i32
      %dma_wait3A_159 = arith.constant 0 : i32
      %dma_wait3A_160 = arith.constant 128 : i32
      %dma_wait3A_161 = arith.constant 0 : i32
      %dma_wait3A_162 = tpu.memref_slice %arg6[%dma_wait3A_159, %dma_wait3A_160, %dma_wait3A_161] : memref<2x640x64xf32, #tpu.memory_space<vmem>> -> memref<1x128x64xf32, #tpu.memory_space<vmem>>
      %dma_wait3A_163 = tpu.memref_squeeze %dma_wait3A_162 : memref<1x128x64xf32, #tpu.memory_space<vmem>> -> memref<128x64xf32, #tpu.memory_space<vmem>>
      %dma_wait3A_164 = arith.constant 0 : i32
      %dma_wait3A_165 = tpu.memref_slice %arg5[%dma_wait3A_157, %dma_wait3A_158, %dma_wait3A_164] : memref<2x5x128xi32, #tpu.memory_space<vmem>> -> memref<1x1x128xi32, #tpu.memory_space<vmem>>
      %dma_wait3A_166 = tpu.memref_squeeze %dma_wait3A_165 : memref<1x1x128xi32, #tpu.memory_space<vmem>> -> memref<128xi32, #tpu.memory_space<vmem>>
      %dma_wait3A_167 = arith.constant 0 : i32
      %dma_wait3A_168 = arith.constant 0 : i32
      %dma_wait3A_169 = tpu.memref_slice %arg3[%dma_wait3A_167, %dma_wait3A_168] : memref<1000000x64xf32, #tpu.memory_space<hbm>> -> memref<1000000x64xf32, #tpu.memory_space<hbm>>
      tpu.wait_indirect_dma semaphore(%arg7 : memref<!tpu.dma_semaphore, #tpu.memory_space<semaphore_mem>>) src(%dma_wait3A_169 : memref<1000000x64xf32, #tpu.memory_space<hbm>>) dst(%dma_wait3A_163 : memref<128x64xf32, #tpu.memory_space<vmem>>)
      %dma_wait3A_170 = arith.constant 0 : i32
      %dma_wait3A_171 = arith.constant 2 : i32
      %dma_wait3A_172 = arith.constant 0 : i32
      %dma_wait3A_173 = arith.constant 256 : i32
      %dma_wait3A_174 = arith.constant 0 : i32
      %dma_wait3A_175 = tpu.memref_slice %arg6[%dma_wait3A_172, %dma_wait3A_173, %dma_wait3A_174] : memref<2x640x64xf32, #tpu.memory_space<vmem>> -> memref<1x128x64xf32, #tpu.memory_space<vmem>>
      %dma_wait3A_176 = tpu.memref_squeeze %dma_wait3A_175 : memref<1x128x64xf32, #tpu.memory_space<vmem>> -> memref<128x64xf32, #tpu.memory_space<vmem>>
      %dma_wait3A_177 = arith.constant 0 : i32
      %dma_wait3A_178 = tpu.memref_slice %arg5[%dma_wait3A_170, %dma_wait3A_171, %dma_wait3A_177] : memref<2x5x128xi32, #tpu.memory_space<vmem>> -> memref<1x1x128xi32, #tpu.memory_space<vmem>>
      %dma_wait3A_179 = tpu.memref_squeeze %dma_wait3A_178 : memref<1x1x128xi32, #tpu.memory_space<vmem>> -> memref<128xi32, #tpu.memory_space<vmem>>
      %dma_wait3A_180 = arith.constant 0 : i32
      %dma_wait3A_181 = arith.constant 0 : i32
      %dma_wait3A_182 = tpu.memref_slice %arg3[%dma_wait3A_180, %dma_wait3A_181] : memref<1000000x64xf32, #tpu.memory_space<hbm>> -> memref<1000000x64xf32, #tpu.memory_space<hbm>>
      tpu.wait_indirect_dma semaphore(%arg7 : memref<!tpu.dma_semaphore, #tpu.memory_space<semaphore_mem>>) src(%dma_wait3A_182 : memref<1000000x64xf32, #tpu.memory_space<hbm>>) dst(%dma_wait3A_176 : memref<128x64xf32, #tpu.memory_space<vmem>>)
      %dma_wait3A_183 = arith.constant 0 : i32
      %dma_wait3A_184 = arith.constant 3 : i32
      %dma_wait3A_185 = arith.constant 0 : i32
      %dma_wait3A_186 = arith.constant 384 : i32
      %dma_wait3A_187 = arith.constant 0 : i32
      %dma_wait3A_188 = tpu.memref_slice %arg6[%dma_wait3A_185, %dma_wait3A_186, %dma_wait3A_187] : memref<2x640x64xf32, #tpu.memory_space<vmem>> -> memref<1x128x64xf32, #tpu.memory_space<vmem>>
      %dma_wait3A_189 = tpu.memref_squeeze %dma_wait3A_188 : memref<1x128x64xf32, #tpu.memory_space<vmem>> -> memref<128x64xf32, #tpu.memory_space<vmem>>
      %dma_wait3A_190 = arith.constant 0 : i32
      %dma_wait3A_191 = tpu.memref_slice %arg5[%dma_wait3A_183, %dma_wait3A_184, %dma_wait3A_190] : memref<2x5x128xi32, #tpu.memory_space<vmem>> -> memref<1x1x128xi32, #tpu.memory_space<vmem>>
      %dma_wait3A_192 = tpu.memref_squeeze %dma_wait3A_191 : memref<1x1x128xi32, #tpu.memory_space<vmem>> -> memref<128xi32, #tpu.memory_space<vmem>>
      %dma_wait3A_193 = arith.constant 0 : i32
      %dma_wait3A_194 = arith.constant 0 : i32
      %dma_wait3A_195 = tpu.memref_slice %arg3[%dma_wait3A_193, %dma_wait3A_194] : memref<1000000x64xf32, #tpu.memory_space<hbm>> -> memref<1000000x64xf32, #tpu.memory_space<hbm>>
      tpu.wait_indirect_dma semaphore(%arg7 : memref<!tpu.dma_semaphore, #tpu.memory_space<semaphore_mem>>) src(%dma_wait3A_195 : memref<1000000x64xf32, #tpu.memory_space<hbm>>) dst(%dma_wait3A_189 : memref<128x64xf32, #tpu.memory_space<vmem>>)
      %dma_wait3A_196 = arith.constant 0 : i32
      %dma_wait3A_197 = arith.constant 4 : i32
      %dma_wait3A_198 = arith.constant 0 : i32
      %dma_wait3A_199 = arith.constant 512 : i32
      %dma_wait3A_200 = arith.constant 0 : i32
      %dma_wait3A_201 = tpu.memref_slice %arg6[%dma_wait3A_198, %dma_wait3A_199, %dma_wait3A_200] : memref<2x640x64xf32, #tpu.memory_space<vmem>> -> memref<1x128x64xf32, #tpu.memory_space<vmem>>
      %dma_wait3A_202 = tpu.memref_squeeze %dma_wait3A_201 : memref<1x128x64xf32, #tpu.memory_space<vmem>> -> memref<128x64xf32, #tpu.memory_space<vmem>>
      %dma_wait3A_203 = arith.constant 0 : i32
      %dma_wait3A_204 = tpu.memref_slice %arg5[%dma_wait3A_196, %dma_wait3A_197, %dma_wait3A_203] : memref<2x5x128xi32, #tpu.memory_space<vmem>> -> memref<1x1x128xi32, #tpu.memory_space<vmem>>
      %dma_wait3A_205 = tpu.memref_squeeze %dma_wait3A_204 : memref<1x1x128xi32, #tpu.memory_space<vmem>> -> memref<128xi32, #tpu.memory_space<vmem>>
      %dma_wait3A_206 = arith.constant 0 : i32
      %dma_wait3A_207 = arith.constant 0 : i32
      %dma_wait3A_208 = tpu.memref_slice %arg3[%dma_wait3A_206, %dma_wait3A_207] : memref<1000000x64xf32, #tpu.memory_space<hbm>> -> memref<1000000x64xf32, #tpu.memory_space<hbm>>
      tpu.wait_indirect_dma semaphore(%arg7 : memref<!tpu.dma_semaphore, #tpu.memory_space<semaphore_mem>>) src(%dma_wait3A_208 : memref<1000000x64xf32, #tpu.memory_space<hbm>>) dst(%dma_wait3A_202 : memref<128x64xf32, #tpu.memory_space<vmem>>)
      %mul3A_209 = arith.constant 2 : i32
      %mul3A_210 = arith.muli %scan3A_6, %mul3A_209 : i32
      %add3A_211 = arith.constant 0 : i32
      %add3A_212 = arith.addi %mul3A_210, %add3A_211 : i32
      %run_scoped3A_213 = arith.constant 0 : i32
      "tpu.region"() ({
        %run_scoped3A_284 = tpu.sem_alloc : memref<!tpu.dma_semaphore, #tpu.memory_space<semaphore_mem>>
        %dma_start3A_285 = arith.constant 0 : i32
        %dma_start3A_286 = arith.constant 0 : i32
        %dma_start3A_287 = tpu.memref_slice %arg6[%run_scoped3A_213, %dma_start3A_285, %dma_start3A_286] : memref<2x640x64xf32, #tpu.memory_space<vmem>> -> memref<1x640x64xf32, #tpu.memory_space<vmem>>
        %dma_start3A_288 = tpu.memref_squeeze %dma_start3A_287 : memref<1x640x64xf32, #tpu.memory_space<vmem>> -> memref<640x64xf32, #tpu.memory_space<vmem>>
        %dma_start3A_289 = arith.constant 0 : i32
        %dma_start3A_290 = arith.constant 0 : i32
        %dma_start3A_291 = tpu.memref_slice %arg4[%add3A, %add3A_212, %dma_start3A_289, %dma_start3A_290] : memref<32x20x640x64xf32, #tpu.memory_space<hbm>> -> memref<1x1x640x64xf32, #tpu.memory_space<hbm>>
        %dma_start3A_292 = tpu.memref_squeeze %dma_start3A_291 : memref<1x1x640x64xf32, #tpu.memory_space<hbm>> -> memref<640x64xf32, #tpu.memory_space<hbm>>
        %dma_start3A_293 = arith.constant 0 : i32
        %dma_start3A_294 = arith.constant 0 : i32
        %dma_start3A_295 = tpu.memref_slice %arg4[%add3A, %add3A_212, %dma_start3A_293, %dma_start3A_294] : memref<32x20x640x64xf32, #tpu.memory_space<hbm>> -> memref<1x1x640x64xf32, #tpu.memory_space<hbm>>
        %dma_start3A_296 = tpu.memref_squeeze %dma_start3A_295 : memref<1x1x640x64xf32, #tpu.memory_space<hbm>> -> memref<640x64xf32, #tpu.memory_space<hbm>>
        %dma_start3A_297 = arith.constant 0 : i32
        %dma_start3A_298 = arith.constant 0 : i32
        %dma_start3A_299 = tpu.memref_slice %arg6[%run_scoped3A_213, %dma_start3A_297, %dma_start3A_298] : memref<2x640x64xf32, #tpu.memory_space<vmem>> -> memref<1x640x64xf32, #tpu.memory_space<vmem>>
        %dma_start3A_300 = tpu.memref_squeeze %dma_start3A_299 : memref<1x640x64xf32, #tpu.memory_space<vmem>> -> memref<640x64xf32, #tpu.memory_space<vmem>>
        tpu.enqueue_dma source(%dma_start3A_300 : memref<640x64xf32, #tpu.memory_space<vmem>>) target(%dma_start3A_296 : memref<640x64xf32, #tpu.memory_space<hbm>>) target_semaphore(%run_scoped3A_284 : memref<!tpu.dma_semaphore, #tpu.memory_space<semaphore_mem>>)
        %dma_wait3A_301 = arith.constant 0 : i32
        %dma_wait3A_302 = arith.constant 0 : i32
        %dma_wait3A_303 = tpu.memref_slice %arg6[%run_scoped3A_213, %dma_wait3A_301, %dma_wait3A_302] : memref<2x640x64xf32, #tpu.memory_space<vmem>> -> memref<1x640x64xf32, #tpu.memory_space<vmem>>
        %dma_wait3A_304 = tpu.memref_squeeze %dma_wait3A_303 : memref<1x640x64xf32, #tpu.memory_space<vmem>> -> memref<640x64xf32, #tpu.memory_space<vmem>>
        %dma_wait3A_305 = arith.constant 0 : i32
        %dma_wait3A_306 = arith.constant 0 : i32
        %dma_wait3A_307 = tpu.memref_slice %arg4[%add3A, %add3A_212, %dma_wait3A_305, %dma_wait3A_306] : memref<32x20x640x64xf32, #tpu.memory_space<hbm>> -> memref<1x1x640x64xf32, #tpu.memory_space<hbm>>
        %dma_wait3A_308 = tpu.memref_squeeze %dma_wait3A_307 : memref<1x1x640x64xf32, #tpu.memory_space<hbm>> -> memref<640x64xf32, #tpu.memory_space<hbm>>
        %dma_wait3A_309 = arith.constant 0 : i32
        %dma_wait3A_310 = arith.constant 0 : i32
        %dma_wait3A_311 = tpu.memref_slice %arg4[%add3A, %add3A_212, %dma_wait3A_309, %dma_wait3A_310] : memref<32x20x640x64xf32, #tpu.memory_space<hbm>> -> memref<1x1x640x64xf32, #tpu.memory_space<hbm>>
        %dma_wait3A_312 = tpu.memref_squeeze %dma_wait3A_311 : memref<1x1x640x64xf32, #tpu.memory_space<hbm>> -> memref<640x64xf32, #tpu.memory_space<hbm>>
        %dma_wait3A_313 = arith.constant 0 : i32
        %dma_wait3A_314 = arith.constant 0 : i32
        %dma_wait3A_315 = tpu.memref_slice %arg6[%run_scoped3A_213, %dma_wait3A_313, %dma_wait3A_314] : memref<2x640x64xf32, #tpu.memory_space<vmem>> -> memref<1x640x64xf32, #tpu.memory_space<vmem>>
        %dma_wait3A_316 = tpu.memref_squeeze %dma_wait3A_315 : memref<1x640x64xf32, #tpu.memory_space<vmem>> -> memref<640x64xf32, #tpu.memory_space<vmem>>
        tpu.wait_dma2 semaphore(%run_scoped3A_284 : memref<!tpu.dma_semaphore, #tpu.memory_space<semaphore_mem>>) src(%dma_wait3A_316 : memref<640x64xf32, #tpu.memory_space<vmem>>) dst(%dma_wait3A_312 : memref<640x64xf32, #tpu.memory_space<hbm>>)
        tpu.yield
      }) : () -> ()
      %dma_wait3A_214 = arith.constant 1 : i32
      %dma_wait3A_215 = arith.constant 0 : i32
      %dma_wait3A_216 = arith.constant 1 : i32
      %dma_wait3A_217 = arith.constant 0 : i32
      %dma_wait3A_218 = arith.constant 0 : i32
      %dma_wait3A_219 = tpu.memref_slice %arg6[%dma_wait3A_216, %dma_wait3A_217, %dma_wait3A_218] : memref<2x640x64xf32, #tpu.memory_space<vmem>> -> memref<1x128x64xf32, #tpu.memory_space<vmem>>
      %dma_wait3A_220 = tpu.memref_squeeze %dma_wait3A_219 : memref<1x128x64xf32, #tpu.memory_space<vmem>> -> memref<128x64xf32, #tpu.memory_space<vmem>>
      %dma_wait3A_221 = arith.constant 0 : i32
      %dma_wait3A_222 = tpu.memref_slice %arg5[%dma_wait3A_214, %dma_wait3A_215, %dma_wait3A_221] : memref<2x5x128xi32, #tpu.memory_space<vmem>> -> memref<1x1x128xi32, #tpu.memory_space<vmem>>
      %dma_wait3A_223 = tpu.memref_squeeze %dma_wait3A_222 : memref<1x1x128xi32, #tpu.memory_space<vmem>> -> memref<128xi32, #tpu.memory_space<vmem>>
      %dma_wait3A_224 = arith.constant 0 : i32
      %dma_wait3A_225 = arith.constant 0 : i32
      %dma_wait3A_226 = tpu.memref_slice %arg3[%dma_wait3A_224, %dma_wait3A_225] : memref<1000000x64xf32, #tpu.memory_space<hbm>> -> memref<1000000x64xf32, #tpu.memory_space<hbm>>
      tpu.wait_indirect_dma semaphore(%arg8 : memref<!tpu.dma_semaphore, #tpu.memory_space<semaphore_mem>>) src(%dma_wait3A_226 : memref<1000000x64xf32, #tpu.memory_space<hbm>>) dst(%dma_wait3A_220 : memref<128x64xf32, #tpu.memory_space<vmem>>)
      %dma_wait3A_227 = arith.constant 1 : i32
      %dma_wait3A_228 = arith.constant 1 : i32
      %dma_wait3A_229 = arith.constant 1 : i32
      %dma_wait3A_230 = arith.constant 128 : i32
      %dma_wait3A_231 = arith.constant 0 : i32
      %dma_wait3A_232 = tpu.memref_slice %arg6[%dma_wait3A_229, %dma_wait3A_230, %dma_wait3A_231] : memref<2x640x64xf32, #tpu.memory_space<vmem>> -> memref<1x128x64xf32, #tpu.memory_space<vmem>>
      %dma_wait3A_233 = tpu.memref_squeeze %dma_wait3A_232 : memref<1x128x64xf32, #tpu.memory_space<vmem>> -> memref<128x64xf32, #tpu.memory_space<vmem>>
      %dma_wait3A_234 = arith.constant 0 : i32
      %dma_wait3A_235 = tpu.memref_slice %arg5[%dma_wait3A_227, %dma_wait3A_228, %dma_wait3A_234] : memref<2x5x128xi32, #tpu.memory_space<vmem>> -> memref<1x1x128xi32, #tpu.memory_space<vmem>>
      %dma_wait3A_236 = tpu.memref_squeeze %dma_wait3A_235 : memref<1x1x128xi32, #tpu.memory_space<vmem>> -> memref<128xi32, #tpu.memory_space<vmem>>
      %dma_wait3A_237 = arith.constant 0 : i32
      %dma_wait3A_238 = arith.constant 0 : i32
      %dma_wait3A_239 = tpu.memref_slice %arg3[%dma_wait3A_237, %dma_wait3A_238] : memref<1000000x64xf32, #tpu.memory_space<hbm>> -> memref<1000000x64xf32, #tpu.memory_space<hbm>>
      tpu.wait_indirect_dma semaphore(%arg8 : memref<!tpu.dma_semaphore, #tpu.memory_space<semaphore_mem>>) src(%dma_wait3A_239 : memref<1000000x64xf32, #tpu.memory_space<hbm>>) dst(%dma_wait3A_233 : memref<128x64xf32, #tpu.memory_space<vmem>>)
      %dma_wait3A_240 = arith.constant 1 : i32
      %dma_wait3A_241 = arith.constant 2 : i32
      %dma_wait3A_242 = arith.constant 1 : i32
      %dma_wait3A_243 = arith.constant 256 : i32
      %dma_wait3A_244 = arith.constant 0 : i32
      %dma_wait3A_245 = tpu.memref_slice %arg6[%dma_wait3A_242, %dma_wait3A_243, %dma_wait3A_244] : memref<2x640x64xf32, #tpu.memory_space<vmem>> -> memref<1x128x64xf32, #tpu.memory_space<vmem>>
      %dma_wait3A_246 = tpu.memref_squeeze %dma_wait3A_245 : memref<1x128x64xf32, #tpu.memory_space<vmem>> -> memref<128x64xf32, #tpu.memory_space<vmem>>
      %dma_wait3A_247 = arith.constant 0 : i32
      %dma_wait3A_248 = tpu.memref_slice %arg5[%dma_wait3A_240, %dma_wait3A_241, %dma_wait3A_247] : memref<2x5x128xi32, #tpu.memory_space<vmem>> -> memref<1x1x128xi32, #tpu.memory_space<vmem>>
      %dma_wait3A_249 = tpu.memref_squeeze %dma_wait3A_248 : memref<1x1x128xi32, #tpu.memory_space<vmem>> -> memref<128xi32, #tpu.memory_space<vmem>>
      %dma_wait3A_250 = arith.constant 0 : i32
      %dma_wait3A_251 = arith.constant 0 : i32
      %dma_wait3A_252 = tpu.memref_slice %arg3[%dma_wait3A_250, %dma_wait3A_251] : memref<1000000x64xf32, #tpu.memory_space<hbm>> -> memref<1000000x64xf32, #tpu.memory_space<hbm>>
      tpu.wait_indirect_dma semaphore(%arg8 : memref<!tpu.dma_semaphore, #tpu.memory_space<semaphore_mem>>) src(%dma_wait3A_252 : memref<1000000x64xf32, #tpu.memory_space<hbm>>) dst(%dma_wait3A_246 : memref<128x64xf32, #tpu.memory_space<vmem>>)
      %dma_wait3A_253 = arith.constant 1 : i32
      %dma_wait3A_254 = arith.constant 3 : i32
      %dma_wait3A_255 = arith.constant 1 : i32
      %dma_wait3A_256 = arith.constant 384 : i32
      %dma_wait3A_257 = arith.constant 0 : i32
      %dma_wait3A_258 = tpu.memref_slice %arg6[%dma_wait3A_255, %dma_wait3A_256, %dma_wait3A_257] : memref<2x640x64xf32, #tpu.memory_space<vmem>> -> memref<1x128x64xf32, #tpu.memory_space<vmem>>
      %dma_wait3A_259 = tpu.memref_squeeze %dma_wait3A_258 : memref<1x128x64xf32, #tpu.memory_space<vmem>> -> memref<128x64xf32, #tpu.memory_space<vmem>>
      %dma_wait3A_260 = arith.constant 0 : i32
      %dma_wait3A_261 = tpu.memref_slice %arg5[%dma_wait3A_253, %dma_wait3A_254, %dma_wait3A_260] : memref<2x5x128xi32, #tpu.memory_space<vmem>> -> memref<1x1x128xi32, #tpu.memory_space<vmem>>
      %dma_wait3A_262 = tpu.memref_squeeze %dma_wait3A_261 : memref<1x1x128xi32, #tpu.memory_space<vmem>> -> memref<128xi32, #tpu.memory_space<vmem>>
      %dma_wait3A_263 = arith.constant 0 : i32
      %dma_wait3A_264 = arith.constant 0 : i32
      %dma_wait3A_265 = tpu.memref_slice %arg3[%dma_wait3A_263, %dma_wait3A_264] : memref<1000000x64xf32, #tpu.memory_space<hbm>> -> memref<1000000x64xf32, #tpu.memory_space<hbm>>
      tpu.wait_indirect_dma semaphore(%arg8 : memref<!tpu.dma_semaphore, #tpu.memory_space<semaphore_mem>>) src(%dma_wait3A_265 : memref<1000000x64xf32, #tpu.memory_space<hbm>>) dst(%dma_wait3A_259 : memref<128x64xf32, #tpu.memory_space<vmem>>)
      %dma_wait3A_266 = arith.constant 1 : i32
      %dma_wait3A_267 = arith.constant 4 : i32
      %dma_wait3A_268 = arith.constant 1 : i32
      %dma_wait3A_269 = arith.constant 512 : i32
      %dma_wait3A_270 = arith.constant 0 : i32
      %dma_wait3A_271 = tpu.memref_slice %arg6[%dma_wait3A_268, %dma_wait3A_269, %dma_wait3A_270] : memref<2x640x64xf32, #tpu.memory_space<vmem>> -> memref<1x128x64xf32, #tpu.memory_space<vmem>>
      %dma_wait3A_272 = tpu.memref_squeeze %dma_wait3A_271 : memref<1x128x64xf32, #tpu.memory_space<vmem>> -> memref<128x64xf32, #tpu.memory_space<vmem>>
      %dma_wait3A_273 = arith.constant 0 : i32
      %dma_wait3A_274 = tpu.memref_slice %arg5[%dma_wait3A_266, %dma_wait3A_267, %dma_wait3A_273] : memref<2x5x128xi32, #tpu.memory_space<vmem>> -> memref<1x1x128xi32, #tpu.memory_space<vmem>>
      %dma_wait3A_275 = tpu.memref_squeeze %dma_wait3A_274 : memref<1x1x128xi32, #tpu.memory_space<vmem>> -> memref<128xi32, #tpu.memory_space<vmem>>
      %dma_wait3A_276 = arith.constant 0 : i32
      %dma_wait3A_277 = arith.constant 0 : i32
      %dma_wait3A_278 = tpu.memref_slice %arg3[%dma_wait3A_276, %dma_wait3A_277] : memref<1000000x64xf32, #tpu.memory_space<hbm>> -> memref<1000000x64xf32, #tpu.memory_space<hbm>>
      tpu.wait_indirect_dma semaphore(%arg8 : memref<!tpu.dma_semaphore, #tpu.memory_space<semaphore_mem>>) src(%dma_wait3A_278 : memref<1000000x64xf32, #tpu.memory_space<hbm>>) dst(%dma_wait3A_272 : memref<128x64xf32, #tpu.memory_space<vmem>>)
      %mul3A_279 = arith.constant 2 : i32
      %mul3A_280 = arith.muli %scan3A_6, %mul3A_279 : i32
      %add3A_281 = arith.constant 1 : i32
      %add3A_282 = arith.addi %mul3A_280, %add3A_281 : i32
      %run_scoped3A_283 = arith.constant 1 : i32
      "tpu.region"() ({
        %run_scoped3A_284 = tpu.sem_alloc : memref<!tpu.dma_semaphore, #tpu.memory_space<semaphore_mem>>
        %dma_start3A_285 = arith.constant 0 : i32
        %dma_start3A_286 = arith.constant 0 : i32
        %dma_start3A_287 = tpu.memref_slice %arg6[%run_scoped3A_283, %dma_start3A_285, %dma_start3A_286] : memref<2x640x64xf32, #tpu.memory_space<vmem>> -> memref<1x640x64xf32, #tpu.memory_space<vmem>>
        %dma_start3A_288 = tpu.memref_squeeze %dma_start3A_287 : memref<1x640x64xf32, #tpu.memory_space<vmem>> -> memref<640x64xf32, #tpu.memory_space<vmem>>
        %dma_start3A_289 = arith.constant 0 : i32
        %dma_start3A_290 = arith.constant 0 : i32
        %dma_start3A_291 = tpu.memref_slice %arg4[%add3A, %add3A_282, %dma_start3A_289, %dma_start3A_290] : memref<32x20x640x64xf32, #tpu.memory_space<hbm>> -> memref<1x1x640x64xf32, #tpu.memory_space<hbm>>
        %dma_start3A_292 = tpu.memref_squeeze %dma_start3A_291 : memref<1x1x640x64xf32, #tpu.memory_space<hbm>> -> memref<640x64xf32, #tpu.memory_space<hbm>>
        %dma_start3A_293 = arith.constant 0 : i32
        %dma_start3A_294 = arith.constant 0 : i32
        %dma_start3A_295 = tpu.memref_slice %arg4[%add3A, %add3A_282, %dma_start3A_293, %dma_start3A_294] : memref<32x20x640x64xf32, #tpu.memory_space<hbm>> -> memref<1x1x640x64xf32, #tpu.memory_space<hbm>>
        %dma_start3A_296 = tpu.memref_squeeze %dma_start3A_295 : memref<1x1x640x64xf32, #tpu.memory_space<hbm>> -> memref<640x64xf32, #tpu.memory_space<hbm>>
        %dma_start3A_297 = arith.constant 0 : i32
        %dma_start3A_298 = arith.constant 0 : i32
        %dma_start3A_299 = tpu.memref_slice %arg6[%run_scoped3A_283, %dma_start3A_297, %dma_start3A_298] : memref<2x640x64xf32, #tpu.memory_space<vmem>> -> memref<1x640x64xf32, #tpu.memory_space<vmem>>
        %dma_start3A_300 = tpu.memref_squeeze %dma_start3A_299 : memref<1x640x64xf32, #tpu.memory_space<vmem>> -> memref<640x64xf32, #tpu.memory_space<vmem>>
        tpu.enqueue_dma source(%dma_start3A_300 : memref<640x64xf32, #tpu.memory_space<vmem>>) target(%dma_start3A_296 : memref<640x64xf32, #tpu.memory_space<hbm>>) target_semaphore(%run_scoped3A_284 : memref<!tpu.dma_semaphore, #tpu.memory_space<semaphore_mem>>)
        %dma_wait3A_301 = arith.constant 0 : i32
        %dma_wait3A_302 = arith.constant 0 : i32
        %dma_wait3A_303 = tpu.memref_slice %arg6[%run_scoped3A_283, %dma_wait3A_301, %dma_wait3A_302] : memref<2x640x64xf32, #tpu.memory_space<vmem>> -> memref<1x640x64xf32, #tpu.memory_space<vmem>>
        %dma_wait3A_304 = tpu.memref_squeeze %dma_wait3A_303 : memref<1x640x64xf32, #tpu.memory_space<vmem>> -> memref<640x64xf32, #tpu.memory_space<vmem>>
        %dma_wait3A_305 = arith.constant 0 : i32
        %dma_wait3A_306 = arith.constant 0 : i32
        %dma_wait3A_307 = tpu.memref_slice %arg4[%add3A, %add3A_282, %dma_wait3A_305, %dma_wait3A_306] : memref<32x20x640x64xf32, #tpu.memory_space<hbm>> -> memref<1x1x640x64xf32, #tpu.memory_space<hbm>>
        %dma_wait3A_308 = tpu.memref_squeeze %dma_wait3A_307 : memref<1x1x640x64xf32, #tpu.memory_space<hbm>> -> memref<640x64xf32, #tpu.memory_space<hbm>>
        %dma_wait3A_309 = arith.constant 0 : i32
        %dma_wait3A_310 = arith.constant 0 : i32
        %dma_wait3A_311 = tpu.memref_slice %arg4[%add3A, %add3A_282, %dma_wait3A_309, %dma_wait3A_310] : memref<32x20x640x64xf32, #tpu.memory_space<hbm>> -> memref<1x1x640x64xf32, #tpu.memory_space<hbm>>
        %dma_wait3A_312 = tpu.memref_squeeze %dma_wait3A_311 : memref<1x1x640x64xf32, #tpu.memory_space<hbm>> -> memref<640x64xf32, #tpu.memory_space<hbm>>
        %dma_wait3A_313 = arith.constant 0 : i32
        %dma_wait3A_314 = arith.constant 0 : i32
        %dma_wait3A_315 = tpu.memref_slice %arg6[%run_scoped3A_283, %dma_wait3A_313, %dma_wait3A_314] : memref<2x640x64xf32, #tpu.memory_space<vmem>> -> memref<1x640x64xf32, #tpu.memory_space<vmem>>
        %dma_wait3A_316 = tpu.memref_squeeze %dma_wait3A_315 : memref<1x640x64xf32, #tpu.memory_space<vmem>> -> memref<640x64xf32, #tpu.memory_space<vmem>>
        tpu.wait_dma2 semaphore(%run_scoped3A_284 : memref<!tpu.dma_semaphore, #tpu.memory_space<semaphore_mem>>) src(%dma_wait3A_316 : memref<640x64xf32, #tpu.memory_space<vmem>>) dst(%dma_wait3A_312 : memref<640x64xf32, #tpu.memory_space<hbm>>)
        tpu.yield
      }) : () -> ()
    }
    %scan3A_5 = arith.constant 10 : i32
    return
  }
}

module attributes {stable_mosaic.version = 14 : i64} {
  func.func @mm_kernel(%arg0: i32, %arg1: memref<8x800x128xf32, #tpu.memory_space<vmem>>, %arg2: memref<800x128xf32, #tpu.memory_space<vmem>>, %arg3: memref<128x256xf32, #tpu.memory_space<vmem>>, %arg4: memref<1x256xf32, #tpu.memory_space<vmem>>, %arg5: memref<64x200x128xf32, #tpu.memory_space<vmem>>) attributes {dimension_semantics = [#tpu.dimension_semantics<arbitrary>], iteration_bounds = array<i64: 32>, scalar_prefetch = 0 : i64, scratch_operands = 0 : i64, tpu.core_type = #tpu.core_type<tc>, window_params = [{transform_indices = @transform_0, window_bounds = array<i64: 8, 800, 128>}, {pipeline_mode = #tpu.pipeline_mode<synchronous>, transform_indices = @transform_1, window_bounds = array<i64: 800, 128>}, {pipeline_mode = #tpu.pipeline_mode<synchronous>, transform_indices = @transform_2, window_bounds = array<i64: 128, 256>}, {pipeline_mode = #tpu.pipeline_mode<synchronous>, transform_indices = @transform_3, window_bounds = array<i64: 1, 256>}, {transform_indices = @transform_4, window_bounds = array<i64: 64, 200, 128>}]} {
    %get3A = arith.constant 0 : index
    %get3A_0 = arith.constant 0 : index
    %get3A_1 = arith.constant 0 : index
    %get3A_2 = vector.load %arg1[%get3A, %get3A_0, %get3A_1] : memref<8x800x128xf32, #tpu.memory_space<vmem>>, vector<8x800x128xf32>
    %get3A_3 = arith.constant 0 : index
    %get3A_4 = arith.constant 0 : index
    %get3A_5 = vector.load %arg2[%get3A_3, %get3A_4] : memref<800x128xf32, #tpu.memory_space<vmem>>, vector<800x128xf32>
    %broadcast_in_dim3A = vector.shape_cast %get3A_5 : vector<800x128xf32> to vector<1x800x128xf32>
    %add3A = vector.broadcast %broadcast_in_dim3A : vector<1x800x128xf32> to vector<8x800x128xf32>
    %add3A_6 = arith.addf %get3A_2, %add3A : vector<8x800x128xf32>
    %reshape3A = vector.shape_cast %add3A_6 : vector<8x800x128xf32> to vector<6400x128xf32>
    %get3A_7 = arith.constant 0 : index
    %get3A_8 = arith.constant 0 : index
    %get3A_9 = vector.load %arg3[%get3A_7, %get3A_8] : memref<128x256xf32, #tpu.memory_space<vmem>>, vector<128x256xf32>
    %dot_general3A = arith.constant dense<0.000000e+00> : vector<6400x256xf32>
    %dot_general3A_10 = tpu.matmul %reshape3A, %get3A_9, %dot_general3A {dimension_numbers = #tpu.dot_dimension_numbers<[1], [0], [0], [1], [0, 0, 1, 1], [], []>, transpose_lhs_hint = false} : vector<6400x128xf32>, vector<128x256xf32>, vector<6400x256xf32> -> vector<6400x256xf32>
    %get3A_11 = arith.constant 0 : index
    %get3A_12 = arith.constant 0 : index
    %get3A_13 = vector.load %arg4[%get3A_11, %get3A_12] : memref<1x256xf32, #tpu.memory_space<vmem>>, vector<1x256xf32>
    %add3A_14 = vector.broadcast %get3A_13 : vector<1x256xf32> to vector<6400x256xf32>
    %add3A_15 = arith.addf %dot_general3A_10, %add3A_14 : vector<6400x256xf32>
    %reshape3A_16 = vector.shape_cast %add3A_15 : vector<6400x256xf32> to vector<64x200x128xf32>
    %swap3A = arith.constant 0 : index
    %swap3A_17 = arith.constant 0 : index
    %swap3A_18 = arith.constant 0 : index
    %swap3A_19 = vector.load %arg5[%swap3A, %swap3A_17, %swap3A_18] : memref<64x200x128xf32, #tpu.memory_space<vmem>>, vector<64x200x128xf32>
    tpu.vector_store %arg5[%swap3A, %swap3A_17, %swap3A_18], %reshape3A_16 {strides = array<i32>} : memref<64x200x128xf32, #tpu.memory_space<vmem>>, vector<64x200x128xf32>,
    return
  }
  func.func @transform_0(%arg0: i32) -> (i32, i32, i32) {
    %c0_i32 = arith.constant 0 : i32
    %c0_i32_0 = arith.constant 0 : i32
    %c0_i32_1 = arith.constant 0 : i32
    return %arg0, %c0_i32, %c0_i32_0 : i32, i32, i32
  }
  func.func @transform_1(%arg0: i32) -> (i32, i32) {
    %c0_i32 = arith.constant 0 : i32
    %c0_i32_0 = arith.constant 0 : i32
    %c0_i32_1 = arith.constant 0 : i32
    return %c0_i32, %c0_i32_0 : i32, i32
  }
  func.func @transform_2(%arg0: i32) -> (i32, i32) {
    %c0_i32 = arith.constant 0 : i32
    %c0_i32_0 = arith.constant 0 : i32
    %c0_i32_1 = arith.constant 0 : i32
    return %c0_i32, %c0_i32_0 : i32, i32
  }
  func.func @transform_3(%arg0: i32) -> (i32, i32) {
    %c0_i32 = arith.constant 0 : i32
    %c0_i32_0 = arith.constant 0 : i32
    %c0_i32_1 = arith.constant 0 : i32
    return %c0_i32, %c0_i32_0 : i32, i32
  }
  func.func @transform_4(%arg0: i32) -> (i32, i32, i32) {
    %add3A = arith.constant 0 : i32
    %add3A_0 = arith.addi %add3A, %arg0 : i32
    %c0_i32 = arith.constant 0 : i32
    %c0_i32_1 = arith.constant 0 : i32
    %c0_i32_2 = arith.constant 0 : i32
    return %add3A_0, %c0_i32, %c0_i32_1 : i32, i32, i32
  }
}

module attributes {stable_mosaic.version = 14 : i64} {
  func.func @mm_kernel_alias(%arg0: i32, %arg1: memref<8x800x128xf32, #tpu.memory_space<vmem>>, %arg2: memref<800x128xf32, #tpu.memory_space<vmem>>, %arg3: memref<128x256xf32, #tpu.memory_space<vmem>>, %arg4: memref<1x256xf32, #tpu.memory_space<vmem>>, %arg5: memref<4096x200x128xf32, #tpu.memory_space<any>>, %arg6: memref<64x200x128xf32, #tpu.memory_space<vmem>>) attributes {dimension_semantics = [#tpu.dimension_semantics<arbitrary>], iteration_bounds = array<i64: 32>, scalar_prefetch = 0 : i64, scratch_operands = 0 : i64, tpu.core_type = #tpu.core_type<tc>, window_params = [{transform_indices = @transform_0, window_bounds = array<i64: 8, 800, 128>}, {pipeline_mode = #tpu.pipeline_mode<synchronous>, transform_indices = @transform_1, window_bounds = array<i64: 800, 128>}, {pipeline_mode = #tpu.pipeline_mode<synchronous>, transform_indices = @transform_2, window_bounds = array<i64: 128, 256>}, {pipeline_mode = #tpu.pipeline_mode<synchronous>, transform_indices = @transform_3, window_bounds = array<i64: 1, 256>}, {}, {transform_indices = @transform_5, window_bounds = array<i64: 64, 200, 128>}]} {
    %get3A = arith.constant 0 : index
    %get3A_0 = arith.constant 0 : index
    %get3A_1 = arith.constant 0 : index
    %get3A_2 = vector.load %arg1[%get3A, %get3A_0, %get3A_1] : memref<8x800x128xf32, #tpu.memory_space<vmem>>, vector<8x800x128xf32>
    %get3A_3 = arith.constant 0 : index
    %get3A_4 = arith.constant 0 : index
    %get3A_5 = vector.load %arg2[%get3A_3, %get3A_4] : memref<800x128xf32, #tpu.memory_space<vmem>>, vector<800x128xf32>
    %broadcast_in_dim3A = vector.shape_cast %get3A_5 : vector<800x128xf32> to vector<1x800x128xf32>
    %add3A = vector.broadcast %broadcast_in_dim3A : vector<1x800x128xf32> to vector<8x800x128xf32>
    %add3A_6 = arith.addf %get3A_2, %add3A : vector<8x800x128xf32>
    %reshape3A = vector.shape_cast %add3A_6 : vector<8x800x128xf32> to vector<6400x128xf32>
    %get3A_7 = arith.constant 0 : index
    %get3A_8 = arith.constant 0 : index
    %get3A_9 = vector.load %arg3[%get3A_7, %get3A_8] : memref<128x256xf32, #tpu.memory_space<vmem>>, vector<128x256xf32>
    %dot_general3A = arith.constant dense<0.000000e+00> : vector<6400x256xf32>
    %dot_general3A_10 = tpu.matmul %reshape3A, %get3A_9, %dot_general3A {dimension_numbers = #tpu.dot_dimension_numbers<[1], [0], [0], [1], [0, 0, 1, 1], [], []>, transpose_lhs_hint = false} : vector<6400x128xf32>, vector<128x256xf32>, vector<6400x256xf32> -> vector<6400x256xf32>
    %get3A_11 = arith.constant 0 : index
    %get3A_12 = arith.constant 0 : index
    %get3A_13 = vector.load %arg4[%get3A_11, %get3A_12] : memref<1x256xf32, #tpu.memory_space<vmem>>, vector<1x256xf32>
    %add3A_14 = vector.broadcast %get3A_13 : vector<1x256xf32> to vector<6400x256xf32>
    %add3A_15 = arith.addf %dot_general3A_10, %add3A_14 : vector<6400x256xf32>
    %reshape3A_16 = vector.shape_cast %add3A_15 : vector<6400x256xf32> to vector<64x200x128xf32>
    %swap3A = arith.constant 0 : index
    %swap3A_17 = arith.constant 0 : index
    %swap3A_18 = arith.constant 0 : index
    %swap3A_19 = vector.load %arg6[%swap3A, %swap3A_17, %swap3A_18] : memref<64x200x128xf32, #tpu.memory_space<vmem>>, vector<64x200x128xf32>
    tpu.vector_store %arg6[%swap3A, %swap3A_17, %swap3A_18], %reshape3A_16 {strides = array<i32>} : memref<64x200x128xf32, #tpu.memory_space<vmem>>, vector<64x200x128xf32>,
    return
  }
  func.func @transform_0(%arg0: i32) -> (i32, i32, i32) {
    %c0_i32 = arith.constant 0 : i32
    %c0_i32_0 = arith.constant 0 : i32
    %c0_i32_1 = arith.constant 0 : i32
    return %arg0, %c0_i32, %c0_i32_0 : i32, i32, i32
  }
  func.func @transform_1(%arg0: i32) -> (i32, i32) {
    %c0_i32 = arith.constant 0 : i32
    %c0_i32_0 = arith.constant 0 : i32
    %c0_i32_1 = arith.constant 0 : i32
    return %c0_i32, %c0_i32_0 : i32, i32
  }
  func.func @transform_2(%arg0: i32) -> (i32, i32) {
    %c0_i32 = arith.constant 0 : i32
    %c0_i32_0 = arith.constant 0 : i32
    %c0_i32_1 = arith.constant 0 : i32
    return %c0_i32, %c0_i32_0 : i32, i32
  }
  func.func @transform_3(%arg0: i32) -> (i32, i32) {
    %c0_i32 = arith.constant 0 : i32
    %c0_i32_0 = arith.constant 0 : i32
    %c0_i32_1 = arith.constant 0 : i32
    return %c0_i32, %c0_i32_0 : i32, i32
  }
  func.func @transform_5(%arg0: i32) -> (i32, i32, i32) {
    %add3A = arith.constant 32 : i32
    %add3A_0 = arith.addi %add3A, %arg0 : i32
    %c0_i32 = arith.constant 0 : i32
    %c0_i32_1 = arith.constant 0 : i32
    %c0_i32_2 = arith.constant 0 : i32
    return %add3A_0, %c0_i32, %c0_i32_1 : i32, i32, i32
  }
}

</mosaic_0001>

<sc_bundles>
// kernel: kernel.6.cloned.1.call-start
scs
__scs_entry_jumppad:
0x0: {  	(pc) =	sbr.rel $0x88, $3  }
0x1: {  	(tag) =	ssettag $0x0;
	lr =	simm.s32 $0x1  }
0x2: {  	[smem:$0x3F9C] =	sst lr;
	_ =	strace $0xD0000000  }
0x3: {  	_ = 	snop  }
0x4: {  	_ = 	snop  }
0x5: {  	_ = 	snop  }
0x6: {  	_ = 	snop  }
0x7: {  	_ = 	snop  }
__scs_overlays_trampoline_lowered:
0x8: {  	[smem:$0x3FAB] =	sst s0  }
0x9: {  	[smem:$0x3FAC] =	sst s1  }
0xa: {  	[smem:$0x3FAD] =	sst s2  }
0xb: {  	[smem:$0x3FAE] =	sst s3  }
0xc: {  	[smem:$0x3FAF] =	sst s4  }
0xd: {  	[smem:$0x3FB0] =	sst s5  }
0xe: {  	[smem:$0x3FB1] =	sst s6  }
0xf: {  	[smem:$0x3FB2] =	sst s7  }
0x10: {  	[smem:$0x3FB3] =	sst s8  }
0x11: {  	[smem:$0x3FB4] =	sst s9;
	s0 =	simm.s32 @!p0 $0x0  }
0x12: {  	s1 =	sld [smem:$0x3F9A];
	s0 =	simm.s32 @p0 $0x1  }
0x13: {  	[smem:$0x3FB5] =	sst s0;
	s0 =	simm.s32 @!p1 $0x0  }
0x14: {  	s2 =	sld [smem:$0x3F99];
	s0 =	simm.s32 @p1 $0x1  }
0x15: {  	[smem:$0x3FB6] =	sst s0;
	s0 =	simm.s32 @!p2 $0x0  }
0x16: {  	s3 =	sld [smem:$0x3FDB];
	s0 =	simm.s32 @p2 $0x1  }
0x17: {  	s4 =	simm.s32 $0x1BF5;
	[smem:$0x3FB8] =	sst s0  }
0x18: {  	s0 =	sld [smem:$0x3F9B];
	_ =	swait.ge [sflag:s4], $0x0  }
0x19: {  	s7 =	sld [smem:$0x3F9C]  }
0x1a: {  	s8 =	sadd.s32 $0xFFFFE003, lr  }
0x1b: {  	s9 =	sadd.s32 $0xFFFFFEF7, lr;
	s5 =	simm.s32 $0xFFFFFFFF;
	p2 =	slt.u32 s8, $0xFFFFF086  }
0x1c: {  	p1 =	slt.u32 s9, $0xF7A;
	s5 =	simm.s32 @!p2 $0x0  }
0x1d: {  	s5 =	simm.s32 @p1 $0x1;
	p0 =	seq.s32 s7, s2  }
0x1e: {  	s7 =	smul.u32 @!p0 $0xF7A, s2;
	p2 =	seq.s32 @!p0 s5, $0x0  }
0x1f: {  	s9 =	smul.u32 $0xF7A, s1;
	s8 =	simm.s32 @!p0 $0x1BF5;
	p2 =	por !p2, p0  }
0x20: {  	[sflag:s8] =	ssyncset.s32 @!p0 $0xFFFFF086;
	s6 =	sadd.s32 @!p0 s3, s7;
	s7 =	simm.s32 @!p0 $0x108  }
0x21: {  	s3 =	sadd.s32 s3, s9;
	s6 =	sadd.s32 @!p0 $0x88, s6;
	s7 =	simm.s32 @p2 $0x1082  }
0x22: {  	[simem:s7], [sflag:s8] =	dma.local @!p0 [hbm:s6], $0xF7A  }
0x23: {  	s9 =	sor.u32 $0xD0000000, s2;
	s6 =	simm.s32 $0x108;
	_ =	swait.ge @!p0 [sflag:s8], $0x0  }
0x24: {  	s3 =	sadd.s32 $0x88, s3;
	s6 =	simm.s32 @!p1 $0x1082;
	[sflag:s4] =	ssyncset.s32 $0xFFFFF086  }
0x25: {  	[simem:s6], [sflag:s4] =	dma.local [hbm:s3], $0xF7A  }
0x26: {  	[smem:$0x3F9C] =	sst s1;
	(tag) =	ssettag s2;
	_ =	strace s9  }
0x27: {  	s1 =	sld [smem:$0x3FAC]  }
0x28: {  	s2 =	sld [smem:$0x3FAD]  }
0x29: {  	s4 =	sld [smem:$0x3FAF]  }
0x2a: {  	p0 =	seq.s32 s5, $0x0;
	s5 =	sld [smem:$0x3FB0]  }
0x2b: {  	s6 =	sld [smem:$0x3FB1]  }
0x2c: {  	s7 =	sld [smem:$0x3FB2]  }
0x2d: {  	s3 =	simm.s32 $0x108;
	s8 =	sld [smem:$0x3FB3]  }
0x2e: {  	s3 =	simm.s32 @!p0 $0x1082;
	s9 =	sld [smem:$0x3FB4]  }
0x2f: {  	lr =	sadd.s32 s0, s3;
	s0 =	sld [smem:$0x3FAB]  }
0x30: {  	s3 =	sld [smem:$0x3FAE]  }
0x31: {  	[smem:$0x3FB7] =	sst s10  }
0x32: {  	s10 =	sld [smem:$0x3FB5];
	_ =	sdelay $0x3  }
0x33: {  	p0 =	seq.s32 s10, $0x1;
	s10 =	sld [smem:$0x3FB7];
	_ =	sdelay $0x3  }
0x34: {  	[smem:$0x3FB7] =	sst s10  }
0x35: {  	s10 =	sld [smem:$0x3FB6];
	_ =	sdelay $0x3  }
0x36: {  	p1 =	seq.s32 s10, $0x1;
	s10 =	sld [smem:$0x3FB7];
	_ =	sdelay $0x3  }
0x37: {  	[smem:$0x3FB7] =	sst s10  }
0x38: {  	s10 =	sld [smem:$0x3FB8]  }
0x39: {  	_ = 	snop;
	(pc) =	sbr.ind lr, $3  }
0x3a: {  	_ = 	snop  }
0x3b: {  	_ = 	snop  }
0x3c: {  	p2 =	seq.s32 s10, $0x1;
	s10 =	sld [smem:$0x3FB7]  }
0x3d: {  	_ =	shalt  }
0x3e: {  	_ =	shalt  }
0x3f: {  	_ =	shalt  }
0x40: {  	_ =	shalt  }
0x41: {  	_ =	shalt  }
0x42: {  	_ =	shalt  }
0x43: {  	_ =	shalt  }
0x44: {  	_ =	shalt  }
0x45: {  	_ =	shalt  }
0x46: {  	_ =	shalt  }
0x47: {  	_ =	shalt  }
0x48: {  	_ =	shalt  }
0x49: {  	_ =	shalt  }
0x4a: {  	_ =	shalt  }
0x4b: {  	_ =	shalt  }
0x4c: {  	_ =	shalt  }
0x4d: {  	_ =	shalt  }
0x4e: {  	_ =	shalt  }
0x4f: {  	_ =	shalt  }
0x50: {  	_ =	shalt  }
0x51: {  	_ =	shalt  }
0x52: {  	_ =	shalt  }
0x53: {  	_ =	shalt  }
0x54: {  	_ =	shalt  }
0x55: {  	_ =	shalt  }
0x56: {  	_ =	shalt  }
0x57: {  	_ =	shalt  }
0x58: {  	_ =	shalt  }
0x59: {  	_ =	shalt  }
0x5a: {  	_ =	shalt  }
0x5b: {  	_ =	shalt  }
0x5c: {  	_ =	shalt  }
0x5d: {  	_ =	shalt  }
0x5e: {  	_ =	shalt  }
0x5f: {  	_ =	shalt  }
0x60: {  	_ =	shalt  }
0x61: {  	_ =	shalt  }
0x62: {  	_ =	shalt  }
0x63: {  	_ =	shalt  }
0x64: {  	_ =	shalt  }
0x65: {  	_ =	shalt  }
0x66: {  	_ =	shalt  }
0x67: {  	_ =	shalt  }
0x68: {  	_ =	shalt  }
0x69: {  	_ =	shalt  }
0x6a: {  	_ =	shalt  }
0x6b: {  	_ =	shalt  }
0x6c: {  	_ =	shalt  }
0x6d: {  	_ =	shalt  }
0x6e: {  	_ =	shalt  }
0x6f: {  	_ =	shalt  }
0x70: {  	_ =	shalt  }
0x71: {  	_ =	shalt  }
0x72: {  	_ =	shalt  }
0x73: {  	_ =	shalt  }
0x74: {  	_ =	shalt  }
0x75: {  	_ =	shalt  }
0x76: {  	_ =	shalt  }
0x77: {  	_ =	shalt  }
0x78: {  	_ =	shalt  }
0x79: {  	_ =	shalt  }
0x7a: {  	_ =	shalt  }
0x7b: {  	_ =	shalt  }
0x7c: {  	_ =	shalt  }
0x7d: {  	_ =	shalt  }
0x7e: {  	_ =	shalt  }
0x7f: {  	_ =	shalt  }
0x80: {  	_ =	shalt  }
0x81: {  	_ =	shalt  }
0x82: {  	_ =	shalt  }
0x83: {  	_ =	shalt  }
0x84: {  	_ =	shalt  }
0x85: {  	_ =	shalt  }
0x86: {  	_ =	shalt  }
0x87: {  	_ =	shalt  }
.Lfunc_end0:
.L_simem_size_0:
called_computation_lowered:
.L_overlay_start_0:
0x88: {  	s2 =	sld [smem:$0x3FD9]  }
0x89: {  	s3 =	sld [smem:$0x3FFE];
	_ =	sdelay $0x1  }
0x8a: {  	s1 =	srdreg.scid  }
0x8b: {  	s0 =	sand.u32 $0x1, s1  }
0x8c: {  	s17 =	sshll.u32 s0, $0xA;
	s2 =	sadd.s32 s3, s2  }
0x8d: {  	s2 =	sadd.s32 s2, s17  }
0x8e: {  	[smem:$0x3FC3] =	sst s2  }
0x8f: {  	_ = 	snop  }
0x90: {  	s2 =	sld [smem:$0x3FD0];
	(tm) =	ssettm $0x1  }
0x91: {  	s18 =	sld [smem:$0x3FFB];
	_ =	sdelay $0x3  }
0x92: {  	_ =	strace s18  }
0x93: {  	s3 =	sld [smem:$0x3FFC];
	_ =	sdelay $0x3  }
0x94: {  	_ =	strace s3  }
0x95: {  	s3 =	sld [smem:$0x3FFD];
	_ =	sdelay $0x3  }
0x96: {  	_ =	strace s3  }
0x97: {  	_ =	strace $0x8FFFFFFF  }
0x98: {  	s19 =	sld [smem:$0x3FDB];
	_ =	sdelay $0x1  }
0x99: {  	s4 =	simm.s32 $_scs_section_size  }
0x9a: {  	s5 =	simm.s32 $_size__tile_overlayer_lowered;
	s6 =	simm.s32 $_tile_overlayer_lowered  }
0x9b: {  	s22 =	simm.s32 $0x1BFF;
	s21 =	sshll.u32 s6, $0x1;
	s3 =	sadd.s32 s4, s19  }
0x9c: {  	s7 =	simm.s32 $0x0;
	s20 =	sshll.u32 s5, $0x1;
	s5 =	sadd.s32 s21, s3  }
0x9d: {  	[timem:s7], [sflag:s22] =	dma.local [hbm:s5], s20  }
0x9e: {  	_ =	swait.ge [sflag:s22], s20  }
0x9f: {  	s4 =	ssub.s32 $0x0, s20;
	[sflag:s22] =	ssyncset.done $0x0  }
0xa0: {  	[sflag:s22] =	ssyncadd.s32 s4;
	_ =	sdelay $0x1  }
0xa1: {  	s23 =	simm.s32 $0x1B8B  }
0xa2: {  	_ =	swait.ge [sflag:s23], $0x1  }
0xa3: {  	[sflag:s23] =	ssyncset.done $0x0  }
0xa4: {  	s25 =	simm.s32 $0x1B8E;
	s24 =	sld [smem:$0x3FFE];
	[sflag:s23] =	ssyncadd.s32 $0xFFFFFFFF  }
0xa5: {  	s26 =	simm.s32 $execute0_lowered;
	[smem:$0x3FD2] =	sst s25  }
0xa6: {  	s5 =	sshll.u32 s26, $0x1;
	_ =	strace $0x80000046;
	[dreg:$0x1] =	wrdreg $0xFFFFFFFF  }
0xa7: {  	s28 =	simm.s32 $_size_execute0_lowered;
	s3 =	sadd.s32 s3, s5;
	[dreg:$0x0] =	wrdreg $0x0  }
0xa8: {  	s5 =	sshll.u32 s28, $0x1;
	[dreg:$0x2] =	wrdreg s3  }
0xa9: {  	[dreg:$0x3] =	wrdreg s5  }
0xaa: {  	[dreg:$0x4] =	wrdreg $0xC0  }
0xab: {  	_ =	task [dreg:s7], $0x5FFFF  }
0xac: {  	[dreg:$0x1] =	wrdreg $0xFFFFFFFF  }
0xad: {  	[dreg:$0x0] =	wrdreg $0x60  }
0xae: {  	[dreg:$0x2] =	wrdreg s2  }
0xaf: {  	[dreg:$0x3] =	wrdreg s24  }
0xb0: {  	[dreg:$0x4] =	wrdreg $0x9  }
0xb1: {  	_ =	task.clear_ibuf [dreg:s7], $0x5FFFF;
	_ =	strace $0x90000046  }
0xb2: {  	s29 =	simm.s32 $0x9;
	_ =	strace $0x80000048  }
0xb3: {  	_ =	swait.ge [sflag:s29], $0x1  }
0xb4: {  	[sflag:s29] =	ssyncadd.s32 $0xFFFFFFFF  }
0xb5: {  	_ =	strace $0x90000048  }
0xb6: {  	_ =	sfence  }
0xb7: {  	s30 =	sld [smem:$0x0];
	_ =	sdelay $0x2  }
0xb8: {  	s31 =	sshll.u32 s1, $0xD;
	s1 =	sshrl.u32 s1, $0x2  }
0xb9: {  	s3 =	sand.u32 $0x4000, s31;
	s1 =	sadd.s32 s1, s30  }
0xba: {  	s0 =	sor.u32 s3, s0;
	s1 =	sshll.u32 s1, $0x11  }
0xbb: {  	s0 =	sor.u32 s1, s0  }
0xbc: {  	s0 =	sadd.s32 $0x8F2B, s0  }
0xbd: {  	[sflag:s0] =	ssyncadd.remote.s32 $0x1  }
0xbe: {  	_ =	sfence.sel $0xFFFF  }
0xbf: {  	[dreg:$0x0] =	wrdreg $0xFFFFFFFF;
	(pc) =	sbr.abs _section_cstart, $3  }
0xc0: {  	[dreg:$0x1] =	wrdreg $0xFFFFFFFF  }
0xc1: {  	_ =	task.clear_ibuf [dreg:s7], $0x2FFFF;
	_ =	strace $0x9FFFFFFF  }
0xc2: {  	(tm) =	ssettm $0x7FFFFFFF  }
0xc3: {  	_ =	shalt  }
tec
execute0_lowered:
.L_overlay_start_1:
0x0: {  	(tag) =	ssettag $0x1  }
0x1: {  	s0 =	rddreg [dreg:$0x0];
	s1 =	srdreg.scid  }
0x2: {  	s3 =	stileid.u32;
	s4 =	rddreg [dreg:$0x1]  }
0x3: {  	s2 =	simm.s32 $0x0;
	s31 =	simm.s32 $0x2500;
	s10 =	simm.s32 $0x100  }
0x4: {  	s11 =	simm.s32 $0x4500;
	s12 =	simm.s32 $0x180;
	s13 =	simm.s32 $0x6500  }
0x5: {  	s14 =	simm.s32 $0x200;
	s15 =	simm.s32 $0x8500;
	s16 =	simm.s32 $0x280  }
0x6: {  	s17 =	simm.s32 $0xA500;
	s18 =	simm.s32 $0x300;
	s19 =	simm.s32 $0xC500  }
0x7: {  	s20 =	simm.s32 $0x380;
	s21 =	simm.s32 $0xE500;
	s22 =	simm.s32 $0x400  }
0x8: {  	s23 =	simm.s32 $0x10500;
	s24 =	simm.s32 $0x480;
	s28 =	simm.s32 $0x2  }
0x9: {  	s29 =	simm.s32 $0x0;
	s1 =	sand.u32 $0x1, s1;
	s5 =	smul.u32 $0x190000, s3  }
0xa: {  	[smem:$0x7FF] =	sst s2;
	s8 =	smul.u32 $0x6400, s3;
	s3 =	sadd.s32 $0xF43400, s4  }
0xb: {  	s4 =	sadd.s32 $0x1000, s4;
	s6 =	smul.u32 $0xC8000, s1;
	s7 =	ssub.s32 $0x2, s1  }
0xc: {  	_ =	strace $0x80000047;
	s1 =	smul.u32 $0x3200, s1;
	s9 =	sshrl.u32 s7, $0x1  }
0xd: {  	[dreg:$0x5] =	wrdreg s31;
	s7 =	ssub.s32 s7, s9;
	s5 =	sadd.s32 s6, s5  }
0xe: {  	s1 =	sadd.s32 s1, s8;
	s8 =	simm.s32 $0x80;
	s9 =	simm.s32 $0x500  }
0xf: {  	s7 =	smax.u32 s7, $0x1;
	s6 =	sshrl.u32 s5, $0x3;
	s25 =	sshrl.u32 s1, $0x3  }
0x10: {  	s1 =	sadd.s32 $0x280, s1;
	s5 =	sadd.s32 $0xA000, s5;
	[dreg:$0x6] =	wrdreg s7  }
0x11: {  	s7 =	sadd.s32 s25, s0;
	s1 =	sshrl.u32 s1, $0x3;
	s26 =	sshrl.u32 s5, $0x3  }
0x12: {  	s30 =	sadd.s32 s6, s4;
	s25 =	simm.s32 $0x12500;
	[dreg:$0x3] =	wrdreg s7  }
0x13: {  	s0 =	sadd.s32 s1, s0;
	[dreg:$0x7] =	wrdreg s30;
	s6 =	sadd.s32 s26, s4  }
0x14: {  	s7 =	simm.s32 $0x3;
	s26 =	simm.s32 $0x1;
	[dreg:$0x4] =	wrdreg s0  }
.LBB2_1:
0x15: {  	s0 =	rddreg [dreg:$0x3]  }
0x16: {  	s0 =	sadd.s32 $0x0, s0  }
0x17: {  	[tilespmem:s2], [sflag:$0x3] =	stream.linear.gather [hbm4b:s0+s2], $0x280, $0x38;
	[tilespmem:$0x14500] =	vst v63  }
0x18: {  	_ =	swait.ge [sflag:s7], $0x280  }
0x19: {  	[sflag:s7] =	ssyncset.done $0x0  }
0x1a: {  	[sflag:s7] =	ssyncadd.s32 $0xFFFFFD80  }
0x1b: {  	[tilespmem:s9], [sflag:$0x1] =	stream.indirect.gather [hbm4b:s3+s8], $0x40, s2, s8, $0xb8;
	[tilespmem:$0x14500] =	vst v63  }
0x1c: {  	s4 =	rddreg [dreg:$0x5]  }
0x1d: {  	[tilespmem:s4], [sflag:$0x1] =	stream.indirect.gather [hbm4b:s3+s8], $0x40, s8, s8, $0xb8;
	[tilespmem:$0x14500] =	vst v63  }
0x1e: {  	_ = 	snop  }
0x1f: {  	[tilespmem:s11], [sflag:$0x1] =	stream.indirect.gather [hbm4b:s3+s8], $0x40, s10, s8, $0xb8;
	[tilespmem:$0x14500] =	vst v63  }
0x20: {  	_ = 	snop  }
0x21: {  	[tilespmem:s13], [sflag:$0x1] =	stream.indirect.gather [hbm4b:s3+s8], $0x40, s12, s8, $0xb8;
	[tilespmem:$0x14500] =	vst v63  }
0x22: {  	s5 =	rddreg [dreg:$0x4]  }
0x23: {  	[tilespmem:s15], [sflag:$0x1] =	stream.indirect.gather [hbm4b:s3+s8], $0x40, s14, s8, $0xb8;
	[tilespmem:$0x14500] =	vst v63  }
0x24: {  	s0 =	sadd.s32 $0x0, s5  }
0x25: {  	[tilespmem:s16], [sflag:$0x3] =	stream.linear.gather [hbm4b:s0+s2], $0x280, $0x38;
	[tilespmem:$0x14500] =	vst v63  }
0x26: {  	_ =	swait.ge [sflag:s7], $0x280  }
0x27: {  	[sflag:s7] =	ssyncset.done $0x0  }
0x28: {  	[sflag:s7] =	ssyncadd.s32 $0xFFFFFD80  }
0x29: {  	[tilespmem:s17], [sflag:$0x2] =	stream.indirect.gather [hbm4b:s3+s8], $0x40, s16, s8, $0xb8;
	[tilespmem:$0x14500] =	vst v63  }
0x2a: {  	_ = 	snop  }
0x2b: {  	[tilespmem:s19], [sflag:$0x2] =	stream.indirect.gather [hbm4b:s3+s8], $0x40, s18, s8, $0xb8;
	[tilespmem:$0x14500] =	vst v63  }
0x2c: {  	_ = 	snop  }
0x2d: {  	[tilespmem:s21], [sflag:$0x2] =	stream.indirect.gather [hbm4b:s3+s8], $0x40, s20, s8, $0xb8;
	[tilespmem:$0x14500] =	vst v63  }
0x2e: {  	_ = 	snop  }
0x2f: {  	[tilespmem:s23], [sflag:$0x2] =	stream.indirect.gather [hbm4b:s3+s8], $0x40, s22, s8, $0xb8;
	[tilespmem:$0x14500] =	vst v63  }
0x30: {  	_ = 	snop  }
0x31: {  	[tilespmem:s25], [sflag:$0x2] =	stream.indirect.gather [hbm4b:s3+s8], $0x40, s24, s8, $0xb8;
	[tilespmem:$0x14500] =	vst v63  }
0x32: {  	_ =	swait.ge [sflag:s26], $0x2000  }
0x33: {  	[sflag:s26] =	ssyncset.done $0x0  }
0x34: {  	[sflag:s26] =	ssyncadd.s32 $0xFFFFE000  }
0x35: {  	_ =	swait.ge [sflag:s26], $0x2000  }
0x36: {  	[sflag:s26] =	ssyncset.done $0x0  }
0x37: {  	[sflag:s26] =	ssyncadd.s32 $0xFFFFE000  }
0x38: {  	_ =	swait.ge [sflag:s26], $0x2000  }
0x39: {  	[sflag:s26] =	ssyncset.done $0x0  }
0x3a: {  	[sflag:s26] =	ssyncadd.s32 $0xFFFFE000  }
0x3b: {  	_ =	swait.ge [sflag:s26], $0x2000  }
0x3c: {  	[sflag:s26] =	ssyncset.done $0x0  }
0x3d: {  	[sflag:s26] =	ssyncadd.s32 $0xFFFFE000  }
0x3e: {  	_ =	swait.ge [sflag:s26], $0x2000  }
0x3f: {  	[sflag:s26] =	ssyncset.done $0x0  }
0x40: {  	s31 =	rddreg [dreg:$0x7];
	[sflag:s26] =	ssyncadd.s32 $0xFFFFE000  }
0x41: {  	[hbm4b:s31+s2] =	stream.linear.scatter [tilespmem:s9], [sflag:$0x3], $0xA000, $0x38;
	[tilespmem:$0x14500] =	vst v63  }
0x42: {  	_ =	swait.ge [sflag:s7], $0xA000  }
0x43: {  	[sflag:s7] =	ssyncset.done $0x0  }
0x44: {  	[sflag:s7] =	ssyncadd.s32 $0xFFFF6000  }
0x45: {  	_ =	swait.ge [sflag:s28], $0x2000  }
0x46: {  	[sflag:s28] =	ssyncset.done $0x0  }
0x47: {  	[sflag:s28] =	ssyncadd.s32 $0xFFFFE000  }
0x48: {  	_ =	swait.ge [sflag:s28], $0x2000  }
0x49: {  	[sflag:s28] =	ssyncset.done $0x0  }
0x4a: {  	[sflag:s28] =	ssyncadd.s32 $0xFFFFE000  }
0x4b: {  	_ =	swait.ge [sflag:s28], $0x2000  }
0x4c: {  	[sflag:s28] =	ssyncset.done $0x0  }
0x4d: {  	[sflag:s28] =	ssyncadd.s32 $0xFFFFE000  }
0x4e: {  	_ =	swait.ge [sflag:s28], $0x2000  }
0x4f: {  	[sflag:s28] =	ssyncset.done $0x0  }
0x50: {  	[sflag:s28] =	ssyncadd.s32 $0xFFFFE000  }
0x51: {  	_ =	swait.ge [sflag:s28], $0x2000  }
0x52: {  	[sflag:s28] =	ssyncset.done $0x0  }
0x53: {  	[sflag:s28] =	ssyncadd.s32 $0xFFFFE000  }
0x54: {  	[hbm4b:s6+s2] =	stream.linear.scatter [tilespmem:s17], [sflag:$0x3], $0xA000, $0x38;
	[tilespmem:$0x14500] =	vst v63  }
0x55: {  	s1 =	simm.s32 $0xA0;
	s30 =	smov.u32 s6;
	_ =	swait.ge [sflag:s7], $0xA000  }
0x56: {  	s0 =	simm.s32 $0x140;
	s4 =	rddreg [dreg:$0x3];
	[sflag:s7] =	ssyncset.done $0x0  }
.LBB2_2:
0x57: {  	[sflag:s7] =	ssyncadd.s32 $0xFFFF6000;
	s4 =	sadd.s32 s1, s4  }
0x58: {  	[tilespmem:s2], [sflag:$0x3] =	stream.linear.gather [hbm4b:s4+s2], $0x280, $0x38;
	[tilespmem:$0x14500] =	vst v63  }
0x59: {  	_ =	swait.ge [sflag:s7], $0x280  }
0x5a: {  	[sflag:s7] =	ssyncset.done $0x0  }
0x5b: {  	[sflag:s7] =	ssyncadd.s32 $0xFFFFFD80  }
0x5c: {  	[tilespmem:s9], [sflag:$0x1] =	stream.indirect.gather [hbm4b:s3+s8], $0x40, s2, s8, $0xb8;
	[tilespmem:$0x14500] =	vst v63  }
0x5d: {  	s4 =	rddreg [dreg:$0x5]  }
0x5e: {  	[tilespmem:s4], [sflag:$0x1] =	stream.indirect.gather [hbm4b:s3+s8], $0x40, s8, s8, $0xb8;
	[tilespmem:$0x14500] =	vst v63  }
0x5f: {  	_ = 	snop  }
0x60: {  	[tilespmem:s11], [sflag:$0x1] =	stream.indirect.gather [hbm4b:s3+s8], $0x40, s10, s8, $0xb8;
	[tilespmem:$0x14500] =	vst v63  }
0x61: {  	_ = 	snop  }
0x62: {  	[tilespmem:s13], [sflag:$0x1] =	stream.indirect.gather [hbm4b:s3+s8], $0x40, s12, s8, $0xb8;
	[tilespmem:$0x14500] =	vst v63  }
0x63: {  	s4 =	rddreg [dreg:$0x4]  }
0x64: {  	[tilespmem:s15], [sflag:$0x1] =	stream.indirect.gather [hbm4b:s3+s8], $0x40, s14, s8, $0xb8;
	[tilespmem:$0x14500] =	vst v63  }
0x65: {  	s4 =	sadd.s32 s1, s4  }
0x66: {  	[tilespmem:s16], [sflag:$0x3] =	stream.linear.gather [hbm4b:s4+s2], $0x280, $0x38;
	[tilespmem:$0x14500] =	vst v63  }
0x67: {  	_ =	swait.ge [sflag:s7], $0x280  }
0x68: {  	[sflag:s7] =	ssyncset.done $0x0  }
0x69: {  	[sflag:s7] =	ssyncadd.s32 $0xFFFFFD80  }
0x6a: {  	[tilespmem:s17], [sflag:$0x2] =	stream.indirect.gather [hbm4b:s3+s8], $0x40, s16, s8, $0xb8;
	[tilespmem:$0x14500] =	vst v63  }
0x6b: {  	_ = 	snop  }
0x6c: {  	[tilespmem:s19], [sflag:$0x2] =	stream.indirect.gather [hbm4b:s3+s8], $0x40, s18, s8, $0xb8;
	[tilespmem:$0x14500] =	vst v63  }
0x6d: {  	_ = 	snop  }
0x6e: {  	[tilespmem:s21], [sflag:$0x2] =	stream.indirect.gather [hbm4b:s3+s8], $0x40, s20, s8, $0xb8;
	[tilespmem:$0x14500] =	vst v63  }
0x6f: {  	_ = 	snop  }
0x70: {  	[tilespmem:s23], [sflag:$0x2] =	stream.indirect.gather [hbm4b:s3+s8], $0x40, s22, s8, $0xb8;
	[tilespmem:$0x14500] =	vst v63  }
0x71: {  	_ = 	snop  }
0x72: {  	[tilespmem:s25], [sflag:$0x2] =	stream.indirect.gather [hbm4b:s3+s8], $0x40, s24, s8, $0xb8;
	[tilespmem:$0x14500] =	vst v63  }
0x73: {  	_ =	swait.ge [sflag:s26], $0x2000  }
0x74: {  	[sflag:s26] =	ssyncset.done $0x0  }
0x75: {  	[sflag:s26] =	ssyncadd.s32 $0xFFFFE000  }
0x76: {  	_ =	swait.ge [sflag:s26], $0x2000  }
0x77: {  	[sflag:s26] =	ssyncset.done $0x0  }
0x78: {  	[sflag:s26] =	ssyncadd.s32 $0xFFFFE000  }
0x79: {  	_ =	swait.ge [sflag:s26], $0x2000  }
0x7a: {  	[sflag:s26] =	ssyncset.done $0x0  }
0x7b: {  	[sflag:s26] =	ssyncadd.s32 $0xFFFFE000  }
0x7c: {  	_ =	swait.ge [sflag:s26], $0x2000  }
0x7d: {  	[sflag:s26] =	ssyncset.done $0x0  }
0x7e: {  	[sflag:s26] =	ssyncadd.s32 $0xFFFFE000  }
0x7f: {  	_ =	swait.ge [sflag:s26], $0x2000  }
0x80: {  	[sflag:s26] =	ssyncset.done $0x0  }
0x81: {  	s31 =	sadd.s32 $0x2800, s31;
	[sflag:s26] =	ssyncadd.s32 $0xFFFFE000  }
0x82: {  	[hbm4b:s31+s2] =	stream.linear.scatter [tilespmem:s9], [sflag:$0x3], $0xA000, $0x38;
	[tilespmem:$0x14500] =	vst v63  }
0x83: {  	_ =	swait.ge [sflag:s7], $0xA000  }
0x84: {  	[sflag:s7] =	ssyncset.done $0x0  }
0x85: {  	[sflag:s7] =	ssyncadd.s32 $0xFFFF6000  }
0x86: {  	_ =	swait.ge [sflag:s28], $0x2000  }
0x87: {  	[sflag:s28] =	ssyncset.done $0x0  }
0x88: {  	[sflag:s28] =	ssyncadd.s32 $0xFFFFE000  }
0x89: {  	_ =	swait.ge [sflag:s28], $0x2000  }
0x8a: {  	[sflag:s28] =	ssyncset.done $0x0  }
0x8b: {  	[sflag:s28] =	ssyncadd.s32 $0xFFFFE000  }
0x8c: {  	_ =	swait.ge [sflag:s28], $0x2000  }
0x8d: {  	[sflag:s28] =	ssyncset.done $0x0  }
0x8e: {  	[sflag:s28] =	ssyncadd.s32 $0xFFFFE000  }
0x8f: {  	_ =	swait.ge [sflag:s28], $0x2000  }
0x90: {  	[sflag:s28] =	ssyncset.done $0x0  }
0x91: {  	[sflag:s28] =	ssyncadd.s32 $0xFFFFE000  }
0x92: {  	p0 =	sne.s32 s0, $0x5A0;
	_ =	swait.ge [sflag:s28], $0x2000  }
.Ltmp0:
0x93: {  	[sflag:s28] =	ssyncset.done $0x0;
	(pc) =	sbr.rel @p0 .LBB2_2-.Ltmp0, $4  }
0x94: {  	s30 =	sadd.s32 $0x2800, s30;
	[sflag:s28] =	ssyncadd.s32 $0xFFFFE000  }
0x95: {  	[hbm4b:s30+s2] =	stream.linear.scatter [tilespmem:s17], [sflag:$0x3], $0xA000, $0x38;
	[tilespmem:$0x14500] =	vst v63  }
0x96: {  	s5 =	smov.u32 s0;
	s0 =	sadd.s32 $0xA0, s0;
	_ =	swait.ge [sflag:s7], $0xA000  }
0x97: {  	s1 =	smov.u32 s5;
	s4 =	rddreg [dreg:$0x3];
	[sflag:s7] =	ssyncset.done $0x0  }
0x98: {  	[sflag:s7] =	ssyncadd.s32 $0xFFFF6000;
	s0 =	sadd.s32 s1, s4  }
0x99: {  	[tilespmem:s2], [sflag:$0x3] =	stream.linear.gather [hbm4b:s0+s2], $0x280, $0x38;
	[tilespmem:$0x14500] =	vst v63  }
0x9a: {  	_ =	swait.ge [sflag:s7], $0x280  }
0x9b: {  	[sflag:s7] =	ssyncset.done $0x0  }
0x9c: {  	[sflag:s7] =	ssyncadd.s32 $0xFFFFFD80  }
0x9d: {  	[tilespmem:s9], [sflag:$0x1] =	stream.indirect.gather [hbm4b:s3+s8], $0x40, s2, s8, $0xb8;
	[tilespmem:$0x14500] =	vst v63  }
0x9e: {  	s5 =	rddreg [dreg:$0x5]  }
0x9f: {  	[tilespmem:s5], [sflag:$0x1] =	stream.indirect.gather [hbm4b:s3+s8], $0x40, s8, s8, $0xb8;
	[tilespmem:$0x14500] =	vst v63  }
0xa0: {  	_ = 	snop  }
0xa1: {  	[tilespmem:s11], [sflag:$0x1] =	stream.indirect.gather [hbm4b:s3+s8], $0x40, s10, s8, $0xb8;
	[tilespmem:$0x14500] =	vst v63  }
0xa2: {  	_ = 	snop  }
0xa3: {  	[tilespmem:s13], [sflag:$0x1] =	stream.indirect.gather [hbm4b:s3+s8], $0x40, s12, s8, $0xb8;
	[tilespmem:$0x14500] =	vst v63  }
0xa4: {  	s4 =	rddreg [dreg:$0x4]  }
0xa5: {  	[tilespmem:s15], [sflag:$0x1] =	stream.indirect.gather [hbm4b:s3+s8], $0x40, s14, s8, $0xb8;
	[tilespmem:$0x14500] =	vst v63  }
0xa6: {  	s0 =	sadd.s32 s1, s4  }
0xa7: {  	[tilespmem:s16], [sflag:$0x3] =	stream.linear.gather [hbm4b:s0+s2], $0x280, $0x38;
	[tilespmem:$0x14500] =	vst v63  }
0xa8: {  	_ =	swait.ge [sflag:s7], $0x280  }
0xa9: {  	[sflag:s7] =	ssyncset.done $0x0  }
0xaa: {  	[sflag:s7] =	ssyncadd.s32 $0xFFFFFD80  }
0xab: {  	[tilespmem:s17], [sflag:$0x2] =	stream.indirect.gather [hbm4b:s3+s8], $0x40, s16, s8, $0xb8;
	[tilespmem:$0x14500] =	vst v63  }
0xac: {  	_ = 	snop  }
0xad: {  	[tilespmem:s19], [sflag:$0x2] =	stream.indirect.gather [hbm4b:s3+s8], $0x40, s18, s8, $0xb8;
	[tilespmem:$0x14500] =	vst v63  }
0xae: {  	_ = 	snop  }
0xaf: {  	[tilespmem:s21], [sflag:$0x2] =	stream.indirect.gather [hbm4b:s3+s8], $0x40, s20, s8, $0xb8;
	[tilespmem:$0x14500] =	vst v63  }
0xb0: {  	_ = 	snop  }
0xb1: {  	[tilespmem:s23], [sflag:$0x2] =	stream.indirect.gather [hbm4b:s3+s8], $0x40, s22, s8, $0xb8;
	[tilespmem:$0x14500] =	vst v63  }
0xb2: {  	_ = 	snop  }
0xb3: {  	[tilespmem:s25], [sflag:$0x2] =	stream.indirect.gather [hbm4b:s3+s8], $0x40, s24, s8, $0xb8;
	[tilespmem:$0x14500] =	vst v63  }
0xb4: {  	_ =	swait.ge [sflag:s26], $0x2000  }
0xb5: {  	[sflag:s26] =	ssyncset.done $0x0  }
0xb6: {  	[sflag:s26] =	ssyncadd.s32 $0xFFFFE000  }
0xb7: {  	_ =	swait.ge [sflag:s26], $0x2000  }
0xb8: {  	[sflag:s26] =	ssyncset.done $0x0  }
0xb9: {  	[sflag:s26] =	ssyncadd.s32 $0xFFFFE000  }
0xba: {  	_ =	swait.ge [sflag:s26], $0x2000  }
0xbb: {  	[sflag:s26] =	ssyncset.done $0x0  }
0xbc: {  	[sflag:s26] =	ssyncadd.s32 $0xFFFFE000  }
0xbd: {  	_ =	swait.ge [sflag:s26], $0x2000  }
0xbe: {  	[sflag:s26] =	ssyncset.done $0x0  }
0xbf: {  	[sflag:s26] =	ssyncadd.s32 $0xFFFFE000  }
0xc0: {  	_ =	swait.ge [sflag:s26], $0x2000  }
0xc1: {  	[sflag:s26] =	ssyncset.done $0x0  }
0xc2: {  	s5 =	sadd.s32 $0x2800, s31;
	[sflag:s26] =	ssyncadd.s32 $0xFFFFE000  }
0xc3: {  	[hbm4b:s5+s2] =	stream.linear.scatter [tilespmem:s9], [sflag:$0x3], $0xA000, $0x38;
	[tilespmem:$0x14500] =	vst v63  }
0xc4: {  	_ =	swait.ge [sflag:s7], $0xA000  }
0xc5: {  	[sflag:s7] =	ssyncset.done $0x0  }
0xc6: {  	[sflag:s7] =	ssyncadd.s32 $0xFFFF6000  }
0xc7: {  	_ =	swait.ge [sflag:s28], $0x2000  }
0xc8: {  	[sflag:s28] =	ssyncset.done $0x0  }
0xc9: {  	[sflag:s28] =	ssyncadd.s32 $0xFFFFE000  }
0xca: {  	_ =	swait.ge [sflag:s28], $0x2000  }
0xcb: {  	[sflag:s28] =	ssyncset.done $0x0  }
0xcc: {  	[sflag:s28] =	ssyncadd.s32 $0xFFFFE000  }
0xcd: {  	_ =	swait.ge [sflag:s28], $0x2000  }
0xce: {  	[sflag:s28] =	ssyncset.done $0x0  }
0xcf: {  	[sflag:s28] =	ssyncadd.s32 $0xFFFFE000  }
0xd0: {  	_ =	swait.ge [sflag:s28], $0x2000  }
0xd1: {  	[sflag:s28] =	ssyncset.done $0x0  }
0xd2: {  	[sflag:s28] =	ssyncadd.s32 $0xFFFFE000  }
0xd3: {  	_ =	swait.ge [sflag:s28], $0x2000  }
0xd4: {  	[sflag:s28] =	ssyncset.done $0x0  }
0xd5: {  	s30 =	sadd.s32 $0x2800, s30;
	[sflag:s28] =	ssyncadd.s32 $0xFFFFE000  }
0xd6: {  	[hbm4b:s30+s2] =	stream.linear.scatter [tilespmem:s17], [sflag:$0x3], $0xA000, $0x38;
	[tilespmem:$0x14500] =	vst v63  }
0xd7: {  	_ =	swait.ge [sflag:s7], $0xA000  }
0xd8: {  	s29 =	sadd.s32 $0x1, s29;
	s31 =	rddreg [dreg:$0x6]  }
0xd9: {  	p0 =	sne.s32 s29, s31  }
.Ltmp1:
0xda: {  	_ = 	snop;
	(pc) =	sbr.rel @p0 .LBB2_1-.Ltmp1, $3  }
0xdb: {  	_ =	sdelay $0x1  }
0xdc: {  	[sflag:s7] =	ssyncset.done $0x0  }
0xdd: {  	[sflag:s7] =	ssyncadd.s32 $0xFFFF6000  }
0xde: {  	_ =	sfence.sel $0x180000  }
0xdf: {  	[bflag:$0x0] =	sbarrier.arrive $0xFFFF  }
0xe0: {  	_ =	strace $0x90000047  }
0xe1: {  	s0 =	stileid.u32;
	[bflag:$0x2] =	sbarrier.arrive $0xFFFF  }
0xe2: {  	p0 =	sne.s32 s0, $0x0;
	s0 =	rddreg [dreg:$0x2]  }
0xe3: {  	s0 =	sadd.s32 @!p0 $0x100000, s0  }
0xe4: {  	[sflag:s0] =	ssyncadd.tile.s32 @!p0 $0x1;
	_ =	shalt  }
.Lfunc_end2:
_tile_overlayer_lowered:
.L_overlay_start_2:
0xe5: {  	(tag) =	ssettag $0x2  }
0xe6: {  	s0 =	rddreg [dreg:$0x0];
	s2 =	stileid.u32  }
0xe7: {  	s1 =	rddreg [dreg:$0x1];
	p0 =	sne.s32 s2, $0x0  }
0xe8: {  	s3 =	rddreg [dreg:$0x2];
	[bflag:$0x3] =	sbarrier.arrive $0xFFFF;
	s2 =	simm.s32 @!p0 $0x1C03  }
0xe9: {  	[timem:s3], [sflag:s2] =	dma.local @!p0 [hbm:s0], s1  }
0xea: {  	s0 =	simm.s32 @!p0 $0x3  }
0xeb: {  	_ =	swait.ge @!p0 [sflag:s0], s1  }
0xec: {  	s1 =	ssub.s32 @!p0 $0x0, s1;
	[sflag:s0] =	ssyncset.done @!p0 $0x0  }
0xed: {  	[sflag:s0] =	ssyncadd.s32 @!p0 s1  }
0xee: {  	[bflag:$0x3] =	sbarrier.arrive $0xFFFF  }
0xef: {  	_ =	shalt  }

// kernel: kernel.9.cloned.1.call-start
scs
__scs_entry_jumppad:
0x0: {  	(pc) =	sbr.rel $0x88, $3  }
0x1: {  	(tag) =	ssettag $0x0;
	lr =	simm.s32 $0x1  }
0x2: {  	[smem:$0x3F9C] =	sst lr;
	_ =	strace $0xD0000000  }
0x3: {  	_ = 	snop  }
0x4: {  	_ = 	snop  }
0x5: {  	_ = 	snop  }
0x6: {  	_ = 	snop  }
0x7: {  	_ = 	snop  }
__scs_overlays_trampoline_lowered:
0x8: {  	[smem:$0x3FAB] =	sst s0  }
0x9: {  	[smem:$0x3FAC] =	sst s1  }
0xa: {  	[smem:$0x3FAD] =	sst s2  }
0xb: {  	[smem:$0x3FAE] =	sst s3  }
0xc: {  	[smem:$0x3FAF] =	sst s4  }
0xd: {  	[smem:$0x3FB0] =	sst s5  }
0xe: {  	[smem:$0x3FB1] =	sst s6  }
0xf: {  	[smem:$0x3FB2] =	sst s7  }
0x10: {  	[smem:$0x3FB3] =	sst s8  }
0x11: {  	[smem:$0x3FB4] =	sst s9;
	s0 =	simm.s32 @!p0 $0x0  }
0x12: {  	s1 =	sld [smem:$0x3F9A];
	s0 =	simm.s32 @p0 $0x1  }
0x13: {  	[smem:$0x3FB5] =	sst s0;
	s0 =	simm.s32 @!p1 $0x0  }
0x14: {  	s2 =	sld [smem:$0x3F99];
	s0 =	simm.s32 @p1 $0x1  }
0x15: {  	[smem:$0x3FB6] =	sst s0;
	s0 =	simm.s32 @!p2 $0x0  }
0x16: {  	s3 =	sld [smem:$0x3FDB];
	s0 =	simm.s32 @p2 $0x1  }
0x17: {  	s4 =	simm.s32 $0x1BF5;
	[smem:$0x3FB8] =	sst s0  }
0x18: {  	s0 =	sld [smem:$0x3F9B];
	_ =	swait.ge [sflag:s4], $0x0  }
0x19: {  	s7 =	sld [smem:$0x3F9C]  }
0x1a: {  	s8 =	sadd.s32 $0xFFFFE003, lr  }
0x1b: {  	s9 =	sadd.s32 $0xFFFFFEF7, lr;
	s5 =	simm.s32 $0xFFFFFFFF;
	p2 =	slt.u32 s8, $0xFFFFF086  }
0x1c: {  	p1 =	slt.u32 s9, $0xF7A;
	s5 =	simm.s32 @!p2 $0x0  }
0x1d: {  	s5 =	simm.s32 @p1 $0x1;
	p0 =	seq.s32 s7, s2  }
0x1e: {  	s7 =	smul.u32 @!p0 $0xF7A, s2;
	p2 =	seq.s32 @!p0 s5, $0x0  }
0x1f: {  	s9 =	smul.u32 $0xF7A, s1;
	s8 =	simm.s32 @!p0 $0x1BF5;
	p2 =	por !p2, p0  }
0x20: {  	[sflag:s8] =	ssyncset.s32 @!p0 $0xFFFFF086;
	s6 =	sadd.s32 @!p0 s3, s7;
	s7 =	simm.s32 @!p0 $0x108  }
0x21: {  	s3 =	sadd.s32 s3, s9;
	s6 =	sadd.s32 @!p0 $0x88, s6;
	s7 =	simm.s32 @p2 $0x1082  }
0x22: {  	[simem:s7], [sflag:s8] =	dma.local @!p0 [hbm:s6], $0xF7A  }
0x23: {  	s9 =	sor.u32 $0xD0000000, s2;
	s6 =	simm.s32 $0x108;
	_ =	swait.ge @!p0 [sflag:s8], $0x0  }
0x24: {  	s3 =	sadd.s32 $0x88, s3;
	s6 =	simm.s32 @!p1 $0x1082;
	[sflag:s4] =	ssyncset.s32 $0xFFFFF086  }
0x25: {  	[simem:s6], [sflag:s4] =	dma.local [hbm:s3], $0xF7A  }
0x26: {  	[smem:$0x3F9C] =	sst s1;
	(tag) =	ssettag s2;
	_ =	strace s9  }
0x27: {  	s1 =	sld [smem:$0x3FAC]  }
0x28: {  	s2 =	sld [smem:$0x3FAD]  }
0x29: {  	s4 =	sld [smem:$0x3FAF]  }
0x2a: {  	p0 =	seq.s32 s5, $0x0;
	s5 =	sld [smem:$0x3FB0]  }
0x2b: {  	s6 =	sld [smem:$0x3FB1]  }
0x2c: {  	s7 =	sld [smem:$0x3FB2]  }
0x2d: {  	s3 =	simm.s32 $0x108;
	s8 =	sld [smem:$0x3FB3]  }
0x2e: {  	s3 =	simm.s32 @!p0 $0x1082;
	s9 =	sld [smem:$0x3FB4]  }
0x2f: {  	lr =	sadd.s32 s0, s3;
	s0 =	sld [smem:$0x3FAB]  }
0x30: {  	s3 =	sld [smem:$0x3FAE]  }
0x31: {  	[smem:$0x3FB7] =	sst s10  }
0x32: {  	s10 =	sld [smem:$0x3FB5];
	_ =	sdelay $0x3  }
0x33: {  	p0 =	seq.s32 s10, $0x1;
	s10 =	sld [smem:$0x3FB7];
	_ =	sdelay $0x3  }
0x34: {  	[smem:$0x3FB7] =	sst s10  }
0x35: {  	s10 =	sld [smem:$0x3FB6];
	_ =	sdelay $0x3  }
0x36: {  	p1 =	seq.s32 s10, $0x1;
	s10 =	sld [smem:$0x3FB7];
	_ =	sdelay $0x3  }
0x37: {  	[smem:$0x3FB7] =	sst s10  }
0x38: {  	s10 =	sld [smem:$0x3FB8]  }
0x39: {  	_ = 	snop;
	(pc) =	sbr.ind lr, $3  }
0x3a: {  	_ = 	snop  }
0x3b: {  	_ = 	snop  }
0x3c: {  	p2 =	seq.s32 s10, $0x1;
	s10 =	sld [smem:$0x3FB7]  }
0x3d: {  	_ =	shalt  }
0x3e: {  	_ =	shalt  }
0x3f: {  	_ =	shalt  }
0x40: {  	_ =	shalt  }
0x41: {  	_ =	shalt  }
0x42: {  	_ =	shalt  }
0x43: {  	_ =	shalt  }
0x44: {  	_ =	shalt  }
0x45: {  	_ =	shalt  }
0x46: {  	_ =	shalt  }
0x47: {  	_ =	shalt  }
0x48: {  	_ =	shalt  }
0x49: {  	_ =	shalt  }
0x4a: {  	_ =	shalt  }
0x4b: {  	_ =	shalt  }
0x4c: {  	_ =	shalt  }
0x4d: {  	_ =	shalt  }
0x4e: {  	_ =	shalt  }
0x4f: {  	_ =	shalt  }
0x50: {  	_ =	shalt  }
0x51: {  	_ =	shalt  }
0x52: {  	_ =	shalt  }
0x53: {  	_ =	shalt  }
0x54: {  	_ =	shalt  }
0x55: {  	_ =	shalt  }
0x56: {  	_ =	shalt  }
0x57: {  	_ =	shalt  }
0x58: {  	_ =	shalt  }
0x59: {  	_ =	shalt  }
0x5a: {  	_ =	shalt  }
0x5b: {  	_ =	shalt  }
0x5c: {  	_ =	shalt  }
0x5d: {  	_ =	shalt  }
0x5e: {  	_ =	shalt  }
0x5f: {  	_ =	shalt  }
0x60: {  	_ =	shalt  }
0x61: {  	_ =	shalt  }
0x62: {  	_ =	shalt  }
0x63: {  	_ =	shalt  }
0x64: {  	_ =	shalt  }
0x65: {  	_ =	shalt  }
0x66: {  	_ =	shalt  }
0x67: {  	_ =	shalt  }
0x68: {  	_ =	shalt  }
0x69: {  	_ =	shalt  }
0x6a: {  	_ =	shalt  }
0x6b: {  	_ =	shalt  }
0x6c: {  	_ =	shalt  }
0x6d: {  	_ =	shalt  }
0x6e: {  	_ =	shalt  }
0x6f: {  	_ =	shalt  }
0x70: {  	_ =	shalt  }
0x71: {  	_ =	shalt  }
0x72: {  	_ =	shalt  }
0x73: {  	_ =	shalt  }
0x74: {  	_ =	shalt  }
0x75: {  	_ =	shalt  }
0x76: {  	_ =	shalt  }
0x77: {  	_ =	shalt  }
0x78: {  	_ =	shalt  }
0x79: {  	_ =	shalt  }
0x7a: {  	_ =	shalt  }
0x7b: {  	_ =	shalt  }
0x7c: {  	_ =	shalt  }
0x7d: {  	_ =	shalt  }
0x7e: {  	_ =	shalt  }
0x7f: {  	_ =	shalt  }
0x80: {  	_ =	shalt  }
0x81: {  	_ =	shalt  }
0x82: {  	_ =	shalt  }
0x83: {  	_ =	shalt  }
0x84: {  	_ =	shalt  }
0x85: {  	_ =	shalt  }
0x86: {  	_ =	shalt  }
0x87: {  	_ =	shalt  }
.Lfunc_end0:
.L_simem_size_0:
called_computation.1_lowered:
.L_overlay_start_0:
0x88: {  	s2 =	sld [smem:$0x3FD9]  }
0x89: {  	s3 =	sld [smem:$0x3FFE];
	_ =	sdelay $0x1  }
0x8a: {  	s1 =	srdreg.scid  }
0x8b: {  	s0 =	sand.u32 $0x1, s1  }
0x8c: {  	s17 =	sshll.u32 s0, $0xA;
	s2 =	sadd.s32 s3, s2  }
0x8d: {  	s2 =	sadd.s32 s2, s17  }
0x8e: {  	[smem:$0x3FC3] =	sst s2  }
0x8f: {  	_ = 	snop  }
0x90: {  	(tm) =	ssettm $0x1  }
0x91: {  	s18 =	sld [smem:$0x3FFB];
	_ =	sdelay $0x3  }
0x92: {  	_ =	strace s18  }
0x93: {  	s2 =	sld [smem:$0x3FFC];
	_ =	sdelay $0x3  }
0x94: {  	_ =	strace s2  }
0x95: {  	s2 =	sld [smem:$0x3FFD];
	_ =	sdelay $0x3  }
0x96: {  	_ =	strace s2  }
0x97: {  	_ =	strace $0x8FFFFFFF  }
0x98: {  	s19 =	sld [smem:$0x3FDB];
	_ =	sdelay $0x1  }
0x99: {  	s20 =	simm.s32 $_scs_section_size  }
0x9a: {  	s4 =	simm.s32 $_size__tile_overlayer_lowered;
	s5 =	simm.s32 $_tile_overlayer_lowered  }
0x9b: {  	s6 =	simm.s32 $0x1BFF;
	s21 =	sshll.u32 s5, $0x1;
	s3 =	sadd.s32 s20, s19  }
0x9c: {  	s22 =	simm.s32 $0x0;
	s4 =	sshll.u32 s4, $0x1;
	s5 =	sadd.s32 s21, s3  }
0x9d: {  	[timem:s22], [sflag:s6] =	dma.local [hbm:s5], s4  }
0x9e: {  	_ =	swait.ge [sflag:s6], s4  }
0x9f: {  	s4 =	ssub.s32 $0x0, s4;
	[sflag:s6] =	ssyncset.done $0x0  }
0xa0: {  	[sflag:s6] =	ssyncadd.s32 s4;
	_ =	sdelay $0x1  }
0xa1: {  	s23 =	simm.s32 $0x1B8B  }
0xa2: {  	_ =	swait.ge [sflag:s23], $0x1  }
0xa3: {  	[sflag:s23] =	ssyncset.done $0x0  }
0xa4: {  	[sflag:s23] =	ssyncadd.s32 $0xFFFFFFFF  }
0xa5: {  	s4 =	sld [smem:$0x0]  }
0xa6: {  	s5 =	sand.u32 $0xFFFFFFFE, s1  }
0xa7: {  	p0 =	sne.s32 s1, s5  }
0xa8: {  	s5 =	sshll.u32 @p0 s5, $0xE  }
0xa9: {  	s5 =	sadd.s32 @p0 $0x11B8D, s5;
	s6 =	sshll.u32 @p0 s4, $0x11  }
0xaa: {  	s5 =	sor.u32 @p0 s6, s5  }
0xab: {  	[sflag:s5] =	ssyncadd.remote.s32 @p0 $0x1;
	_ =	sdelay $0x1  }
0xac: {  	s5 =	simm.s32 @p0 $0x1B8D  }
0xad: {  	_ =	swait.eq @p0 [sflag:s5], $0x1  }
0xae: {  	[sflag:s5] =	ssyncadd.s32 @p0 $0xFFFFFFFF  }
0xaf: {  	s6 =	sshll.u32 @!p0 s1, $0xE  }
0xb0: {  	s6 =	sor.u32 @!p0 $0x4000, s6;
	s5 =	simm.s32 @!p0 $0x1B8D  }
0xb1: {  	s4 =	sshll.u32 @!p0 s4, $0x11;
	s6 =	sadd.s32 @!p0 $0x11B8D, s6;
	_ =	swait.eq @!p0 [sflag:s5], $0x1  }
0xb2: {  	s4 =	sor.u32 @!p0 s4, s6;
	[sflag:s5] =	ssyncadd.s32 @!p0 $0xFFFFFFFF  }
0xb3: {  	s25 =	simm.s32 $0x1B8E;
	s24 =	sld [smem:$0x3FFE];
	[sflag:s4] =	ssyncadd.remote.s32 @!p0 $0x1  }
0xb4: {  	s26 =	simm.s32 $execute0_lowered;
	[smem:$0x3FD2] =	sst s25  }
0xb5: {  	s5 =	sshll.u32 s26, $0x1;
	_ =	strace $0x80000049;
	[dreg:$0x1] =	wrdreg $0xFFFFFFFF  }
0xb6: {  	s28 =	simm.s32 $_size_execute0_lowered;
	s3 =	sadd.s32 s3, s5;
	[dreg:$0x0] =	wrdreg $0x0  }
0xb7: {  	s5 =	sshll.u32 s28, $0x1;
	[dreg:$0x2] =	wrdreg s3  }
0xb8: {  	[dreg:$0x3] =	wrdreg s5  }
0xb9: {  	[dreg:$0x4] =	wrdreg $0xC0  }
0xba: {  	_ =	task [dreg:s22], $0x5FFFF  }
0xbb: {  	[dreg:$0x1] =	wrdreg $0xFFFFFFFF  }
0xbc: {  	[dreg:$0x0] =	wrdreg $0x60  }
0xbd: {  	[dreg:$0x2] =	wrdreg s24  }
0xbe: {  	[dreg:$0x3] =	wrdreg $0xA  }
0xbf: {  	_ =	task.clear_ibuf [dreg:s22], $0x4FFFF;
	_ =	strace $0x90000049  }
0xc0: {  	s29 =	simm.s32 $0xA;
	_ =	strace $0x8000004B  }
0xc1: {  	_ =	swait.ge [sflag:s29], $0x1  }
0xc2: {  	[sflag:s29] =	ssyncadd.s32 $0xFFFFFFFF  }
0xc3: {  	_ =	strace $0x9000004B  }
0xc4: {  	_ =	sfence  }
0xc5: {  	s30 =	sld [smem:$0x0];
	_ =	sdelay $0x2  }
0xc6: {  	s31 =	sshll.u32 s1, $0xD;
	s1 =	sshrl.u32 s1, $0x2  }
0xc7: {  	s4 =	sand.u32 $0x4000, s31;
	s1 =	sadd.s32 s1, s30  }
0xc8: {  	s0 =	sor.u32 s4, s0;
	s1 =	sshll.u32 s1, $0x11  }
0xc9: {  	s0 =	sor.u32 s1, s0  }
0xca: {  	s0 =	sadd.s32 $0x8F2B, s0  }
0xcb: {  	[sflag:s0] =	ssyncadd.remote.s32 $0x1  }
0xcc: {  	_ =	sfence.sel $0xFFFF  }
0xcd: {  	[dreg:$0x0] =	wrdreg $0xFFFFFFFF;
	(pc) =	sbr.abs _section_cstart, $3  }
0xce: {  	[dreg:$0x1] =	wrdreg $0xFFFFFFFF  }
0xcf: {  	_ =	task.clear_ibuf [dreg:s22], $0x2FFFF;
	_ =	strace $0x9FFFFFFF  }
0xd0: {  	(tm) =	ssettm $0x7FFFFFFF  }
0xd1: {  	_ =	shalt  }
tec
execute0_lowered:
.L_overlay_start_1:
0x0: {  	(tag) =	ssettag $0x1  }
0x1: {  	s0 =	rddreg [dreg:$0x0]  }
0x2: {  	s1 =	srdreg.scid;
	s3 =	stileid.u32;
	s2 =	simm.s32 $0x0  }
0x3: {  	s31 =	simm.s32 $0x2500;
	s10 =	simm.s32 $0x100;
	s11 =	simm.s32 $0x4500  }
0x4: {  	s12 =	simm.s32 $0x180;
	s13 =	simm.s32 $0x6500;
	s14 =	simm.s32 $0x200  }
0x5: {  	s15 =	simm.s32 $0x8500;
	s16 =	simm.s32 $0x280;
	s17 =	simm.s32 $0xA500  }
0x6: {  	s18 =	simm.s32 $0x300;
	s19 =	simm.s32 $0xC500;
	s20 =	simm.s32 $0x380  }
0x7: {  	s21 =	simm.s32 $0xE500;
	s22 =	simm.s32 $0x400;
	s23 =	simm.s32 $0x10500  }
0x8: {  	s24 =	simm.s32 $0x480;
	s25 =	simm.s32 $0x12500;
	s26 =	simm.s32 $0x1  }
0x9: {  	s28 =	simm.s32 $0x2;
	s29 =	simm.s32 $0x0;
	s4 =	smul.u32 $0x190000, s3  }
0xa: {  	s1 =	sand.u32 $0x1, s1;
	[smem:$0x7FF] =	sst s2;
	s7 =	smul.u32 $0x6400, s3  }
0xb: {  	s8 =	sadd.s32 $0x321000, s0;
	s3 =	sadd.s32 $0xF43400, s0;
	s5 =	smul.u32 $0xC8000, s1  }
0xc: {  	s0 =	sadd.s32 $0x32D800, s0;
	s6 =	ssub.s32 $0x2, s1;
	s1 =	smul.u32 $0x3200, s1  }
0xd: {  	_ =	strace $0x8000004A;
	[dreg:$0x4] =	wrdreg s31;
	s9 =	sshrl.u32 s6, $0x1  }
0xe: {  	s6 =	ssub.s32 s6, s9;
	s4 =	sadd.s32 s5, s4;
	s1 =	sadd.s32 s1, s7  }
0xf: {  	s7 =	simm.s32 $0x3;
	s9 =	simm.s32 $0x500;
	s6 =	smax.u32 s6, $0x1  }
0x10: {  	s5 =	sshrl.u32 s4, $0x3;
	s30 =	sshrl.u32 s1, $0x3;
	s1 =	sadd.s32 $0x280, s1  }
0x11: {  	s4 =	sadd.s32 $0xA000, s4;
	[dreg:$0x5] =	wrdreg s6;
	s6 =	sadd.s32 s30, s8  }
0x12: {  	s1 =	sshrl.u32 s1, $0x3;
	s5 =	sadd.s32 s5, s0;
	[dreg:$0x2] =	wrdreg s6  }
0x13: {  	s4 =	sshrl.u32 s4, $0x3;
	s1 =	sadd.s32 s1, s8;
	[dreg:$0x6] =	wrdreg s5  }
0x14: {  	s6 =	sadd.s32 s4, s0;
	s8 =	simm.s32 $0x80;
	[dreg:$0x3] =	wrdreg s1  }
.LBB2_1:
0x15: {  	s0 =	rddreg [dreg:$0x2]  }
0x16: {  	s0 =	sadd.s32 $0x0, s0  }
0x17: {  	[tilespmem:s2], [sflag:$0x3] =	stream.linear.gather [hbm4b:s0+s2], $0x280, $0x38;
	[tilespmem:$0x14500] =	vst v63  }
0x18: {  	_ =	swait.ge [sflag:s7], $0x280  }
0x19: {  	[sflag:s7] =	ssyncset.done $0x0  }
0x1a: {  	[sflag:s7] =	ssyncadd.s32 $0xFFFFFD80  }
0x1b: {  	[tilespmem:s9], [sflag:$0x1] =	stream.indirect.gather [hbm4b:s3+s8], $0x40, s2, s8, $0xb8;
	[tilespmem:$0x14500] =	vst v63  }
0x1c: {  	s4 =	rddreg [dreg:$0x4]  }
0x1d: {  	[tilespmem:s4], [sflag:$0x1] =	stream.indirect.gather [hbm4b:s3+s8], $0x40, s8, s8, $0xb8;
	[tilespmem:$0x14500] =	vst v63  }
0x1e: {  	_ = 	snop  }
0x1f: {  	[tilespmem:s11], [sflag:$0x1] =	stream.indirect.gather [hbm4b:s3+s8], $0x40, s10, s8, $0xb8;
	[tilespmem:$0x14500] =	vst v63  }
0x20: {  	_ = 	snop  }
0x21: {  	[tilespmem:s13], [sflag:$0x1] =	stream.indirect.gather [hbm4b:s3+s8], $0x40, s12, s8, $0xb8;
	[tilespmem:$0x14500] =	vst v63  }
0x22: {  	s5 =	rddreg [dreg:$0x3]  }
0x23: {  	[tilespmem:s15], [sflag:$0x1] =	stream.indirect.gather [hbm4b:s3+s8], $0x40, s14, s8, $0xb8;
	[tilespmem:$0x14500] =	vst v63  }
0x24: {  	s0 =	sadd.s32 $0x0, s5  }
0x25: {  	[tilespmem:s16], [sflag:$0x3] =	stream.linear.gather [hbm4b:s0+s2], $0x280, $0x38;
	[tilespmem:$0x14500] =	vst v63  }
0x26: {  	_ =	swait.ge [sflag:s7], $0x280  }
0x27: {  	[sflag:s7] =	ssyncset.done $0x0  }
0x28: {  	[sflag:s7] =	ssyncadd.s32 $0xFFFFFD80  }
0x29: {  	[tilespmem:s17], [sflag:$0x2] =	stream.indirect.gather [hbm4b:s3+s8], $0x40, s16, s8, $0xb8;
	[tilespmem:$0x14500] =	vst v63  }
0x2a: {  	_ = 	snop  }
0x2b: {  	[tilespmem:s19], [sflag:$0x2] =	stream.indirect.gather [hbm4b:s3+s8], $0x40, s18, s8, $0xb8;
	[tilespmem:$0x14500] =	vst v63  }
0x2c: {  	_ = 	snop  }
0x2d: {  	[tilespmem:s21], [sflag:$0x2] =	stream.indirect.gather [hbm4b:s3+s8], $0x40, s20, s8, $0xb8;
	[tilespmem:$0x14500] =	vst v63  }
0x2e: {  	_ = 	snop  }
0x2f: {  	[tilespmem:s23], [sflag:$0x2] =	stream.indirect.gather [hbm4b:s3+s8], $0x40, s22, s8, $0xb8;
	[tilespmem:$0x14500] =	vst v63  }
0x30: {  	_ = 	snop  }
0x31: {  	[tilespmem:s25], [sflag:$0x2] =	stream.indirect.gather [hbm4b:s3+s8], $0x40, s24, s8, $0xb8;
	[tilespmem:$0x14500] =	vst v63  }
0x32: {  	_ =	swait.ge [sflag:s26], $0x2000  }
0x33: {  	[sflag:s26] =	ssyncset.done $0x0  }
0x34: {  	[sflag:s26] =	ssyncadd.s32 $0xFFFFE000  }
0x35: {  	_ =	swait.ge [sflag:s26], $0x2000  }
0x36: {  	[sflag:s26] =	ssyncset.done $0x0  }
0x37: {  	[sflag:s26] =	ssyncadd.s32 $0xFFFFE000  }
0x38: {  	_ =	swait.ge [sflag:s26], $0x2000  }
0x39: {  	[sflag:s26] =	ssyncset.done $0x0  }
0x3a: {  	[sflag:s26] =	ssyncadd.s32 $0xFFFFE000  }
0x3b: {  	_ =	swait.ge [sflag:s26], $0x2000  }
0x3c: {  	[sflag:s26] =	ssyncset.done $0x0  }
0x3d: {  	[sflag:s26] =	ssyncadd.s32 $0xFFFFE000  }
0x3e: {  	_ =	swait.ge [sflag:s26], $0x2000  }
0x3f: {  	[sflag:s26] =	ssyncset.done $0x0  }
0x40: {  	s31 =	rddreg [dreg:$0x6];
	[sflag:s26] =	ssyncadd.s32 $0xFFFFE000  }
0x41: {  	[hbm4b:s31+s2] =	stream.linear.scatter [tilespmem:s9], [sflag:$0x3], $0xA000, $0x38;
	[tilespmem:$0x14500] =	vst v63  }
0x42: {  	_ =	swait.ge [sflag:s7], $0xA000  }
0x43: {  	[sflag:s7] =	ssyncset.done $0x0  }
0x44: {  	[sflag:s7] =	ssyncadd.s32 $0xFFFF6000  }
0x45: {  	_ =	swait.ge [sflag:s28], $0x2000  }
0x46: {  	[sflag:s28] =	ssyncset.done $0x0  }
0x47: {  	[sflag:s28] =	ssyncadd.s32 $0xFFFFE000  }
0x48: {  	_ =	swait.ge [sflag:s28], $0x2000  }
0x49: {  	[sflag:s28] =	ssyncset.done $0x0  }
0x4a: {  	[sflag:s28] =	ssyncadd.s32 $0xFFFFE000  }
0x4b: {  	_ =	swait.ge [sflag:s28], $0x2000  }
0x4c: {  	[sflag:s28] =	ssyncset.done $0x0  }
0x4d: {  	[sflag:s28] =	ssyncadd.s32 $0xFFFFE000  }
0x4e: {  	_ =	swait.ge [sflag:s28], $0x2000  }
0x4f: {  	[sflag:s28] =	ssyncset.done $0x0  }
0x50: {  	[sflag:s28] =	ssyncadd.s32 $0xFFFFE000  }
0x51: {  	_ =	swait.ge [sflag:s28], $0x2000  }
0x52: {  	[sflag:s28] =	ssyncset.done $0x0  }
0x53: {  	[sflag:s28] =	ssyncadd.s32 $0xFFFFE000  }
0x54: {  	[hbm4b:s6+s2] =	stream.linear.scatter [tilespmem:s17], [sflag:$0x3], $0xA000, $0x38;
	[tilespmem:$0x14500] =	vst v63  }
0x55: {  	s1 =	simm.s32 $0x140;
	s30 =	smov.u32 s6;
	_ =	swait.ge [sflag:s7], $0xA000  }
0x56: {  	s0 =	simm.s32 $0xA0;
	s4 =	rddreg [dreg:$0x2];
	[sflag:s7] =	ssyncset.done $0x0  }
.LBB2_2:
0x57: {  	[sflag:s7] =	ssyncadd.s32 $0xFFFF6000;
	s4 =	sadd.s32 s0, s4  }
0x58: {  	[tilespmem:s2], [sflag:$0x3] =	stream.linear.gather [hbm4b:s4+s2], $0x280, $0x38;
	[tilespmem:$0x14500] =	vst v63  }
0x59: {  	_ =	swait.ge [sflag:s7], $0x280  }
0x5a: {  	[sflag:s7] =	ssyncset.done $0x0  }
0x5b: {  	[sflag:s7] =	ssyncadd.s32 $0xFFFFFD80  }
0x5c: {  	[tilespmem:s9], [sflag:$0x1] =	stream.indirect.gather [hbm4b:s3+s8], $0x40, s2, s8, $0xb8;
	[tilespmem:$0x14500] =	vst v63  }
0x5d: {  	s4 =	rddreg [dreg:$0x4]  }
0x5e: {  	[tilespmem:s4], [sflag:$0x1] =	stream.indirect.gather [hbm4b:s3+s8], $0x40, s8, s8, $0xb8;
	[tilespmem:$0x14500] =	vst v63  }
0x5f: {  	_ = 	snop  }
0x60: {  	[tilespmem:s11], [sflag:$0x1] =	stream.indirect.gather [hbm4b:s3+s8], $0x40, s10, s8, $0xb8;
	[tilespmem:$0x14500] =	vst v63  }
0x61: {  	_ = 	snop  }
0x62: {  	[tilespmem:s13], [sflag:$0x1] =	stream.indirect.gather [hbm4b:s3+s8], $0x40, s12, s8, $0xb8;
	[tilespmem:$0x14500] =	vst v63  }
0x63: {  	s4 =	rddreg [dreg:$0x3]  }
0x64: {  	[tilespmem:s15], [sflag:$0x1] =	stream.indirect.gather [hbm4b:s3+s8], $0x40, s14, s8, $0xb8;
	[tilespmem:$0x14500] =	vst v63  }
0x65: {  	s4 =	sadd.s32 s0, s4  }
0x66: {  	[tilespmem:s16], [sflag:$0x3] =	stream.linear.gather [hbm4b:s4+s2], $0x280, $0x38;
	[tilespmem:$0x14500] =	vst v63  }
0x67: {  	_ =	swait.ge [sflag:s7], $0x280  }
0x68: {  	[sflag:s7] =	ssyncset.done $0x0  }
0x69: {  	[sflag:s7] =	ssyncadd.s32 $0xFFFFFD80  }
0x6a: {  	[tilespmem:s17], [sflag:$0x2] =	stream.indirect.gather [hbm4b:s3+s8], $0x40, s16, s8, $0xb8;
	[tilespmem:$0x14500] =	vst v63  }
0x6b: {  	_ = 	snop  }
0x6c: {  	[tilespmem:s19], [sflag:$0x2] =	stream.indirect.gather [hbm4b:s3+s8], $0x40, s18, s8, $0xb8;
	[tilespmem:$0x14500] =	vst v63  }
0x6d: {  	_ = 	snop  }
0x6e: {  	[tilespmem:s21], [sflag:$0x2] =	stream.indirect.gather [hbm4b:s3+s8], $0x40, s20, s8, $0xb8;
	[tilespmem:$0x14500] =	vst v63  }
0x6f: {  	_ = 	snop  }
0x70: {  	[tilespmem:s23], [sflag:$0x2] =	stream.indirect.gather [hbm4b:s3+s8], $0x40, s22, s8, $0xb8;
	[tilespmem:$0x14500] =	vst v63  }
0x71: {  	_ = 	snop  }
0x72: {  	[tilespmem:s25], [sflag:$0x2] =	stream.indirect.gather [hbm4b:s3+s8], $0x40, s24, s8, $0xb8;
	[tilespmem:$0x14500] =	vst v63  }
0x73: {  	_ =	swait.ge [sflag:s26], $0x2000  }
0x74: {  	[sflag:s26] =	ssyncset.done $0x0  }
0x75: {  	[sflag:s26] =	ssyncadd.s32 $0xFFFFE000  }
0x76: {  	_ =	swait.ge [sflag:s26], $0x2000  }
0x77: {  	[sflag:s26] =	ssyncset.done $0x0  }
0x78: {  	[sflag:s26] =	ssyncadd.s32 $0xFFFFE000  }
0x79: {  	_ =	swait.ge [sflag:s26], $0x2000  }
0x7a: {  	[sflag:s26] =	ssyncset.done $0x0  }
0x7b: {  	[sflag:s26] =	ssyncadd.s32 $0xFFFFE000  }
0x7c: {  	_ =	swait.ge [sflag:s26], $0x2000  }
0x7d: {  	[sflag:s26] =	ssyncset.done $0x0  }
0x7e: {  	[sflag:s26] =	ssyncadd.s32 $0xFFFFE000  }
0x7f: {  	_ =	swait.ge [sflag:s26], $0x2000  }
0x80: {  	[sflag:s26] =	ssyncset.done $0x0  }
0x81: {  	s31 =	sadd.s32 $0x2800, s31;
	[sflag:s26] =	ssyncadd.s32 $0xFFFFE000  }
0x82: {  	[hbm4b:s31+s2] =	stream.linear.scatter [tilespmem:s9], [sflag:$0x3], $0xA000, $0x38;
	[tilespmem:$0x14500] =	vst v63  }
0x83: {  	_ =	swait.ge [sflag:s7], $0xA000  }
0x84: {  	[sflag:s7] =	ssyncset.done $0x0  }
0x85: {  	[sflag:s7] =	ssyncadd.s32 $0xFFFF6000  }
0x86: {  	_ =	swait.ge [sflag:s28], $0x2000  }
0x87: {  	[sflag:s28] =	ssyncset.done $0x0  }
0x88: {  	[sflag:s28] =	ssyncadd.s32 $0xFFFFE000  }
0x89: {  	_ =	swait.ge [sflag:s28], $0x2000  }
0x8a: {  	[sflag:s28] =	ssyncset.done $0x0  }
0x8b: {  	[sflag:s28] =	ssyncadd.s32 $0xFFFFE000  }
0x8c: {  	_ =	swait.ge [sflag:s28], $0x2000  }
0x8d: {  	[sflag:s28] =	ssyncset.done $0x0  }
0x8e: {  	[sflag:s28] =	ssyncadd.s32 $0xFFFFE000  }
0x8f: {  	_ =	swait.ge [sflag:s28], $0x2000  }
0x90: {  	[sflag:s28] =	ssyncset.done $0x0  }
0x91: {  	[sflag:s28] =	ssyncadd.s32 $0xFFFFE000  }
0x92: {  	p0 =	sne.s32 s1, $0x5A0;
	_ =	swait.ge [sflag:s28], $0x2000  }
.Ltmp0:
0x93: {  	[sflag:s28] =	ssyncset.done $0x0;
	(pc) =	sbr.rel @p0 .LBB2_2-.Ltmp0, $4  }
0x94: {  	s30 =	sadd.s32 $0x2800, s30;
	[sflag:s28] =	ssyncadd.s32 $0xFFFFE000  }
0x95: {  	[hbm4b:s30+s2] =	stream.linear.scatter [tilespmem:s17], [sflag:$0x3], $0xA000, $0x38;
	[tilespmem:$0x14500] =	vst v63  }
0x96: {  	s5 =	smov.u32 s1;
	s1 =	sadd.s32 $0xA0, s1;
	_ =	swait.ge [sflag:s7], $0xA000  }
0x97: {  	s0 =	smov.u32 s5;
	s4 =	rddreg [dreg:$0x2];
	[sflag:s7] =	ssyncset.done $0x0  }
0x98: {  	[sflag:s7] =	ssyncadd.s32 $0xFFFF6000;
	s1 =	sadd.s32 s0, s4  }
0x99: {  	[tilespmem:s2], [sflag:$0x3] =	stream.linear.gather [hbm4b:s1+s2], $0x280, $0x38;
	[tilespmem:$0x14500] =	vst v63  }
0x9a: {  	_ =	swait.ge [sflag:s7], $0x280  }
0x9b: {  	[sflag:s7] =	ssyncset.done $0x0  }
0x9c: {  	[sflag:s7] =	ssyncadd.s32 $0xFFFFFD80  }
0x9d: {  	[tilespmem:s9], [sflag:$0x1] =	stream.indirect.gather [hbm4b:s3+s8], $0x40, s2, s8, $0xb8;
	[tilespmem:$0x14500] =	vst v63  }
0x9e: {  	s4 =	rddreg [dreg:$0x4]  }
0x9f: {  	[tilespmem:s4], [sflag:$0x1] =	stream.indirect.gather [hbm4b:s3+s8], $0x40, s8, s8, $0xb8;
	[tilespmem:$0x14500] =	vst v63  }
0xa0: {  	_ = 	snop  }
0xa1: {  	[tilespmem:s11], [sflag:$0x1] =	stream.indirect.gather [hbm4b:s3+s8], $0x40, s10, s8, $0xb8;
	[tilespmem:$0x14500] =	vst v63  }
0xa2: {  	_ = 	snop  }
0xa3: {  	[tilespmem:s13], [sflag:$0x1] =	stream.indirect.gather [hbm4b:s3+s8], $0x40, s12, s8, $0xb8;
	[tilespmem:$0x14500] =	vst v63  }
0xa4: {  	s5 =	rddreg [dreg:$0x3]  }
0xa5: {  	[tilespmem:s15], [sflag:$0x1] =	stream.indirect.gather [hbm4b:s3+s8], $0x40, s14, s8, $0xb8;
	[tilespmem:$0x14500] =	vst v63  }
0xa6: {  	s4 =	sadd.s32 s0, s5  }
0xa7: {  	[tilespmem:s16], [sflag:$0x3] =	stream.linear.gather [hbm4b:s4+s2], $0x280, $0x38;
	[tilespmem:$0x14500] =	vst v63  }
0xa8: {  	_ =	swait.ge [sflag:s7], $0x280  }
0xa9: {  	[sflag:s7] =	ssyncset.done $0x0  }
0xaa: {  	[sflag:s7] =	ssyncadd.s32 $0xFFFFFD80  }
0xab: {  	[tilespmem:s17], [sflag:$0x2] =	stream.indirect.gather [hbm4b:s3+s8], $0x40, s16, s8, $0xb8;
	[tilespmem:$0x14500] =	vst v63  }
0xac: {  	_ = 	snop  }
0xad: {  	[tilespmem:s19], [sflag:$0x2] =	stream.indirect.gather [hbm4b:s3+s8], $0x40, s18, s8, $0xb8;
	[tilespmem:$0x14500] =	vst v63  }
0xae: {  	_ = 	snop  }
0xaf: {  	[tilespmem:s21], [sflag:$0x2] =	stream.indirect.gather [hbm4b:s3+s8], $0x40, s20, s8, $0xb8;
	[tilespmem:$0x14500] =	vst v63  }
0xb0: {  	_ = 	snop  }
0xb1: {  	[tilespmem:s23], [sflag:$0x2] =	stream.indirect.gather [hbm4b:s3+s8], $0x40, s22, s8, $0xb8;
	[tilespmem:$0x14500] =	vst v63  }
0xb2: {  	_ = 	snop  }
0xb3: {  	[tilespmem:s25], [sflag:$0x2] =	stream.indirect.gather [hbm4b:s3+s8], $0x40, s24, s8, $0xb8;
	[tilespmem:$0x14500] =	vst v63  }
0xb4: {  	_ =	swait.ge [sflag:s26], $0x2000  }
0xb5: {  	[sflag:s26] =	ssyncset.done $0x0  }
0xb6: {  	[sflag:s26] =	ssyncadd.s32 $0xFFFFE000  }
0xb7: {  	_ =	swait.ge [sflag:s26], $0x2000  }
0xb8: {  	[sflag:s26] =	ssyncset.done $0x0  }
0xb9: {  	[sflag:s26] =	ssyncadd.s32 $0xFFFFE000  }
0xba: {  	_ =	swait.ge [sflag:s26], $0x2000  }
0xbb: {  	[sflag:s26] =	ssyncset.done $0x0  }
0xbc: {  	[sflag:s26] =	ssyncadd.s32 $0xFFFFE000  }
0xbd: {  	_ =	swait.ge [sflag:s26], $0x2000  }
0xbe: {  	[sflag:s26] =	ssyncset.done $0x0  }
0xbf: {  	[sflag:s26] =	ssyncadd.s32 $0xFFFFE000  }
0xc0: {  	_ =	swait.ge [sflag:s26], $0x2000  }
0xc1: {  	[sflag:s26] =	ssyncset.done $0x0  }
0xc2: {  	s5 =	sadd.s32 $0x2800, s31;
	[sflag:s26] =	ssyncadd.s32 $0xFFFFE000  }
0xc3: {  	[hbm4b:s5+s2] =	stream.linear.scatter [tilespmem:s9], [sflag:$0x3], $0xA000, $0x38;
	[tilespmem:$0x14500] =	vst v63  }
0xc4: {  	_ =	swait.ge [sflag:s7], $0xA000  }
0xc5: {  	[sflag:s7] =	ssyncset.done $0x0  }
0xc6: {  	[sflag:s7] =	ssyncadd.s32 $0xFFFF6000  }
0xc7: {  	_ =	swait.ge [sflag:s28], $0x2000  }
0xc8: {  	[sflag:s28] =	ssyncset.done $0x0  }
0xc9: {  	[sflag:s28] =	ssyncadd.s32 $0xFFFFE000  }
0xca: {  	_ =	swait.ge [sflag:s28], $0x2000  }
0xcb: {  	[sflag:s28] =	ssyncset.done $0x0  }
0xcc: {  	[sflag:s28] =	ssyncadd.s32 $0xFFFFE000  }
0xcd: {  	_ =	swait.ge [sflag:s28], $0x2000  }
0xce: {  	[sflag:s28] =	ssyncset.done $0x0  }
0xcf: {  	[sflag:s28] =	ssyncadd.s32 $0xFFFFE000  }
0xd0: {  	_ =	swait.ge [sflag:s28], $0x2000  }
0xd1: {  	[sflag:s28] =	ssyncset.done $0x0  }
0xd2: {  	[sflag:s28] =	ssyncadd.s32 $0xFFFFE000  }
0xd3: {  	_ =	swait.ge [sflag:s28], $0x2000  }
0xd4: {  	[sflag:s28] =	ssyncset.done $0x0  }
0xd5: {  	s30 =	sadd.s32 $0x2800, s30;
	[sflag:s28] =	ssyncadd.s32 $0xFFFFE000  }
0xd6: {  	[hbm4b:s30+s2] =	stream.linear.scatter [tilespmem:s17], [sflag:$0x3], $0xA000, $0x38;
	[tilespmem:$0x14500] =	vst v63  }
0xd7: {  	_ =	swait.ge [sflag:s7], $0xA000  }
0xd8: {  	s29 =	sadd.s32 $0x1, s29;
	s31 =	rddreg [dreg:$0x5]  }
0xd9: {  	p0 =	sne.s32 s29, s31  }
.Ltmp1:
0xda: {  	_ = 	snop;
	(pc) =	sbr.rel @p0 .LBB2_1-.Ltmp1, $3  }
0xdb: {  	_ =	sdelay $0x1  }
0xdc: {  	[sflag:s7] =	ssyncset.done $0x0  }
0xdd: {  	[sflag:s7] =	ssyncadd.s32 $0xFFFF6000  }
0xde: {  	_ =	sfence.sel $0x180000  }
0xdf: {  	[bflag:$0x0] =	sbarrier.arrive $0xFFFF  }
0xe0: {  	_ =	strace $0x9000004A  }
0xe1: {  	s0 =	stileid.u32;
	[bflag:$0x2] =	sbarrier.arrive $0xFFFF  }
0xe2: {  	p0 =	sne.s32 s0, $0x0;
	s0 =	rddreg [dreg:$0x1]  }
0xe3: {  	s0 =	sadd.s32 @!p0 $0x100000, s0  }
0xe4: {  	[sflag:s0] =	ssyncadd.tile.s32 @!p0 $0x1;
	_ =	shalt  }
.Lfunc_end2:
_tile_overlayer_lowered:
.L_overlay_start_2:
0xe5: {  	(tag) =	ssettag $0x2  }
0xe6: {  	s0 =	rddreg [dreg:$0x0];
	s2 =	stileid.u32  }
0xe7: {  	s1 =	rddreg [dreg:$0x1];
	p0 =	sne.s32 s2, $0x0  }
0xe8: {  	s3 =	rddreg [dreg:$0x2];
	[bflag:$0x3] =	sbarrier.arrive $0xFFFF;
	s2 =	simm.s32 @!p0 $0x1C03  }
0xe9: {  	[timem:s3], [sflag:s2] =	dma.local @!p0 [hbm:s0], s1  }
0xea: {  	s0 =	simm.s32 @!p0 $0x3  }
0xeb: {  	_ =	swait.ge @!p0 [sflag:s0], s1  }
0xec: {  	s1 =	ssub.s32 @!p0 $0x0, s1;
	[sflag:s0] =	ssyncset.done @!p0 $0x0  }
0xed: {  	[sflag:s0] =	ssyncadd.s32 @!p0 s1  }
0xee: {  	[bflag:$0x3] =	sbarrier.arrive $0xFFFF  }
0xef: {  	_ =	shalt  }

</sc_bundles>
